<compile_context>
chip_gen: v7x
topology: tpu7x:2x2x1
jax: 0.10.2.dev20260603
libtpu: 0.0.44.dev20260713+nightly
codegen_flags: <defaults>
</compile_context>

<pallas_src>
import functools

import jax
import jax.numpy as jnp
from jax import lax
from jax.experimental import pallas as pl
from jax.experimental.pallas import tpu as pltpu
from jax.experimental.pallas import tpu_sc as plsc



def _argmin_body(x_ref, cb_ref, c2_ref, idx_ref):
    n = cb_ref.shape[0]
    cb = cb_ref[...]
    c2 = c2_ref[...]
    r = x_ref.shape[0]
    sub = 256
    for s in range(r // sub):
        rows = pl.ds(s * sub, sub)
        x = x_ref[rows, :]
        xc = lax.dot_general(x, cb, (((1,), (1,)), ((), ())),
                             preferred_element_type=jnp.float32)
        x2 = jnp.sum(x * x, axis=1, keepdims=True)
        dists = (x2 + c2) - 2.0 * xc
        mn = jnp.min(dists, axis=1, keepdims=True)
        cand = jax.lax.broadcasted_iota(jnp.int32, dists.shape, 1)
        idx = jnp.min(jnp.where(dists == mn, cand, jnp.int32(n)), axis=1)
        idx_ref[0, 0, rows] = idx


def _nearest_idx(x_flat, cb, c2, block_rows):
    m, d = x_flat.shape
    n = cb.shape[0]
    n_blocks = m // block_rows
    out = pl.pallas_call(
        _argmin_body,
        grid=(n_blocks,),
        in_specs=[
            pl.BlockSpec((block_rows, d), lambda i: (i, 0)),
            pl.BlockSpec((n, d), lambda i: (0, 0)),
            pl.BlockSpec((1, n), lambda i: (0, 0)),
        ],
        out_specs=pl.BlockSpec((1, 1, block_rows), lambda i: (i, 0, 0)),
        out_shape=jax.ShapeDtypeStruct((n_blocks, 1, block_rows), jnp.int32),
    )(x_flat, cb, c2.reshape(1, n))
    return out.reshape(m)



def _make_gather(d, b_total):
    info = plsc.get_sparse_core_info()
    nw = info.num_cores * info.num_subcores
    b_per_w = b_total // nw
    chunk = min(32, b_per_w)
    n_chunks = b_per_w // chunk
    nbuf = min(3, n_chunks)
    mesh = plsc.VectorSubcoreMesh(core_axis_name="c", subcore_axis_name="s")

    @functools.partial(
        pl.kernel,
        mesh=mesh,
        out_type=jax.ShapeDtypeStruct((b_total, d), jnp.float32),
        scratch_types=[
            pltpu.VMEM((b_per_w,), jnp.int32),
            pltpu.VMEM((nbuf, chunk, d), jnp.float32),
            pltpu.SemaphoreType.DMA,
        ] + [pltpu.SemaphoreType.DMA] * nbuf,
    )
    def gather(table_hbm, idx_hbm, out_hbm, idx_v, rows_v, gsem, *wsems):
        wid = lax.axis_index("s") * info.num_cores + lax.axis_index("c")
        base = wid * b_per_w
        pltpu.sync_copy(idx_hbm.at[pl.ds(base, b_per_w)], idx_v)
        writebacks = [None] * nbuf
        for c in range(n_chunks):
            sl = c % nbuf
            g = pltpu.make_async_copy(
                table_hbm.at[idx_v.at[pl.ds(c * chunk, chunk)]],
                rows_v.at[sl], gsem)
            g.start()
            if writebacks[sl] is not None:
                writebacks[sl].wait()
            g.wait()
            w = pltpu.make_async_copy(
                rows_v.at[sl],
                out_hbm.at[pl.ds(base + c * chunk, chunk)],
                wsems[sl])
            w.start()
            writebacks[sl] = w
        for w in writebacks:
            if w is not None:
                w.wait()

    return gather



def kernel(x, codebook):
    b, t, d = x.shape
    m = b * t
    x_flat = x.reshape(m, d)
    c2 = (codebook ** 2).sum(axis=1)
    idx = _nearest_idx(x_flat, codebook, c2, block_rows=2048)
    out = _make_gather(d, m)(codebook, idx)
    return out.reshape(b, t, d)

# --- scband reference (transcript-rebuilt; emitter-appended) ---
"""Pipeline reference for scband-concept-graph-89970974916666 (READ-ONLY COPY).

The authoritative reference and input builder live on the scoring server;
editing this copy changes nothing except your own understanding.
"""

import jax, jax.numpy as jnp
import numpy as np

N_CONCEPTS = 1024
D_MODEL = 1024

def setup_inputs(seed: int = 0) -> dict:
    key = jax.random.key(seed)
    k1, k2 = jax.random.split(key)
    x = jax.random.normal(k1, (4, 2048, D_MODEL), dtype=jnp.float32)
    codebook = jax.random.normal(k2, (N_CONCEPTS, D_MODEL), dtype=jnp.float32) * 0.02
    return {"x": x, "codebook": codebook}

def reference(x, codebook):
    B, T, D = x.shape
    x_flat = x.reshape(B * T, D)
    x2 = (x_flat ** 2).sum(axis=1, keepdims=True)
    c2 = (codebook ** 2).sum(axis=1)
    xc = jnp.matmul(x_flat, codebook.T)
    dists = x2 + c2 - 2.0 * xc
    nearest_idx = jnp.argmin(dists, axis=1)
    quantized = jnp.take(codebook, nearest_idx, axis=0)
    # straight-through estimator
    quantized = x_flat + jax.lax.stop_gradient(quantized - x_flat)
    return quantized.reshape(B, T, D)

if __name__ == "__main__":
    import jax
    _d = setup_inputs()
    print(jax.jit(kernel)(*tuple(_d.values())))

</pallas_src>

<mosaic_0001>
#map = affine_map<(d0, d1) -> (0, 0)>
#map1 = affine_map<(d0, d1) -> (0)>
module attributes {stable_mosaic.version = 14 : i64} {
  func.func @gather(%arg0: i32, %arg1: i32, %arg2: memref<1024x1024xf32, #tpu.memory_space<hbm>>, %arg3: memref<8192xi32, #tpu.memory_space<hbm>>, %arg4: memref<8192x1024xf32, #tpu.memory_space<hbm>>, %arg5: memref<256xi32, #tpu.memory_space<vmem>>, %arg6: memref<3x32x1024xf32, #tpu.memory_space<vmem>>, %arg7: memref<!tpu.dma_semaphore, #tpu.memory_space<semaphore_mem>>, %arg8: memref<!tpu.dma_semaphore, #tpu.memory_space<semaphore_mem>>, %arg9: memref<!tpu.dma_semaphore, #tpu.memory_space<semaphore_mem>>, %arg10: memref<!tpu.dma_semaphore, #tpu.memory_space<semaphore_mem>>) attributes {dimension_semantics = [#tpu.dimension_semantics<core_parallel>, #tpu.dimension_semantics<subcore_parallel>], iteration_bounds = array<i64: 2, 16>, scalar_prefetch = 0 : i64, scratch_operands = 6 : i64, tpu.core_type = #tpu.core_type<sc_vector_subcore>, window_params = [{transform_indices = #map}, {transform_indices = #map1}, {transform_indices = #map}]} {
    %mul3A = arith.constant 2 : i32
    %mul3A_0 = arith.muli %arg1, %mul3A : i32
    %add3A = arith.addi %mul3A_0, %arg0 : i32
    %mul3A_1 = arith.constant 256 : i32
    %mul3A_2 = arith.muli %add3A, %mul3A_1 : i32
    "tpu.region"() ({
      %run_scoped3A = tpu.sem_alloc : memref<!tpu.dma_semaphore, #tpu.memory_space<semaphore_mem>>
      %dma_start3A_385 = tpu.memref_slice %arg3[%mul3A_2] : memref<8192xi32, #tpu.memory_space<hbm>> -> memref<256xi32, #tpu.memory_space<hbm>>
      %dma_start3A_386 = tpu.memref_slice %arg3[%mul3A_2] : memref<8192xi32, #tpu.memory_space<hbm>> -> memref<256xi32, #tpu.memory_space<hbm>>
      tpu.enqueue_dma source(%dma_start3A_386 : memref<256xi32, #tpu.memory_space<hbm>>) target(%arg5 : memref<256xi32, #tpu.memory_space<vmem>>) target_semaphore(%run_scoped3A : memref<!tpu.dma_semaphore, #tpu.memory_space<semaphore_mem>>)
      %dma_wait3A_387 = tpu.memref_slice %arg3[%mul3A_2] : memref<8192xi32, #tpu.memory_space<hbm>> -> memref<256xi32, #tpu.memory_space<hbm>>
      %dma_wait3A_388 = tpu.memref_slice %arg3[%mul3A_2] : memref<8192xi32, #tpu.memory_space<hbm>> -> memref<256xi32, #tpu.memory_space<hbm>>
      tpu.wait_dma2 semaphore(%run_scoped3A : memref<!tpu.dma_semaphore, #tpu.memory_space<semaphore_mem>>) src(%dma_wait3A_388 : memref<256xi32, #tpu.memory_space<hbm>>) dst(%arg5 : memref<256xi32, #tpu.memory_space<vmem>>)
      tpu.yield
    }) : () -> ()
    %dma_start3A = arith.constant 0 : i32
    %dma_start3A_3 = arith.constant 0 : i32
    %dma_start3A_4 = arith.constant 0 : i32
    %dma_start3A_5 = tpu.memref_slice %arg6[%dma_start3A, %dma_start3A_3, %dma_start3A_4] : memref<3x32x1024xf32, #tpu.memory_space<vmem>> -> memref<1x32x1024xf32, #tpu.memory_space<vmem>>
    %dma_start3A_6 = tpu.memref_squeeze %dma_start3A_5 : memref<1x32x1024xf32, #tpu.memory_space<vmem>> -> memref<32x1024xf32, #tpu.memory_space<vmem>>
    %dma_start3A_7 = arith.constant 0 : i32
    %dma_start3A_8 = tpu.memref_slice %arg5[%dma_start3A_7] : memref<256xi32, #tpu.memory_space<vmem>> -> memref<32xi32, #tpu.memory_space<vmem>>
    %dma_start3A_9 = arith.constant 0 : i32
    %dma_start3A_10 = arith.constant 0 : i32
    %dma_start3A_11 = tpu.memref_slice %arg2[%dma_start3A_9, %dma_start3A_10] : memref<1024x1024xf32, #tpu.memory_space<hbm>> -> memref<1024x1024xf32, #tpu.memory_space<hbm>>
    tpu.enqueue_indirect_dma source(%dma_start3A_11 : memref<1024x1024xf32, #tpu.memory_space<hbm>>) target(%dma_start3A_6 : memref<32x1024xf32, #tpu.memory_space<vmem>>) offsets(%dma_start3A_8 : memref<32xi32, #tpu.memory_space<vmem>>) semaphore(%arg7 : memref<!tpu.dma_semaphore, #tpu.memory_space<semaphore_mem>>)
    %dma_wait3A = arith.constant 0 : i32
    %dma_wait3A_12 = arith.constant 0 : i32
    %dma_wait3A_13 = arith.constant 0 : i32
    %dma_wait3A_14 = tpu.memref_slice %arg6[%dma_wait3A, %dma_wait3A_12, %dma_wait3A_13] : memref<3x32x1024xf32, #tpu.memory_space<vmem>> -> memref<1x32x1024xf32, #tpu.memory_space<vmem>>
    %dma_wait3A_15 = tpu.memref_squeeze %dma_wait3A_14 : memref<1x32x1024xf32, #tpu.memory_space<vmem>> -> memref<32x1024xf32, #tpu.memory_space<vmem>>
    %dma_wait3A_16 = arith.constant 0 : i32
    %dma_wait3A_17 = tpu.memref_slice %arg5[%dma_wait3A_16] : memref<256xi32, #tpu.memory_space<vmem>> -> memref<32xi32, #tpu.memory_space<vmem>>
    %dma_wait3A_18 = arith.constant 0 : i32
    %dma_wait3A_19 = arith.constant 0 : i32
    %dma_wait3A_20 = tpu.memref_slice %arg2[%dma_wait3A_18, %dma_wait3A_19] : memref<1024x1024xf32, #tpu.memory_space<hbm>> -> memref<1024x1024xf32, #tpu.memory_space<hbm>>
    tpu.wait_indirect_dma semaphore(%arg7 : memref<!tpu.dma_semaphore, #tpu.memory_space<semaphore_mem>>) src(%dma_wait3A_20 : memref<1024x1024xf32, #tpu.memory_space<hbm>>) dst(%dma_wait3A_15 : memref<32x1024xf32, #tpu.memory_space<vmem>>)
    %add3A_21 = arith.constant 0 : i32
    %add3A_22 = arith.addi %mul3A_2, %add3A_21 : i32
    %dma_start3A_23 = arith.constant 0 : i32
    %dma_start3A_24 = arith.constant 0 : i32
    %dma_start3A_25 = arith.constant 0 : i32
    %dma_start3A_26 = tpu.memref_slice %arg6[%dma_start3A_23, %dma_start3A_24, %dma_start3A_25] : memref<3x32x1024xf32, #tpu.memory_space<vmem>> -> memref<1x32x1024xf32, #tpu.memory_space<vmem>>
    %dma_start3A_27 = tpu.memref_squeeze %dma_start3A_26 : memref<1x32x1024xf32, #tpu.memory_space<vmem>> -> memref<32x1024xf32, #tpu.memory_space<vmem>>
    %dma_start3A_28 = arith.constant 0 : i32
    %dma_start3A_29 = tpu.memref_slice %arg4[%add3A_22, %dma_start3A_28] : memref<8192x1024xf32, #tpu.memory_space<hbm>> -> memref<32x1024xf32, #tpu.memory_space<hbm>>
    %dma_start3A_30 = arith.constant 0 : i32
    %dma_start3A_31 = tpu.memref_slice %arg4[%add3A_22, %dma_start3A_30] : memref<8192x1024xf32, #tpu.memory_space<hbm>> -> memref<32x1024xf32, #tpu.memory_space<hbm>>
    %dma_start3A_32 = arith.constant 0 : i32
    %dma_start3A_33 = arith.constant 0 : i32
    %dma_start3A_34 = tpu.memref_slice %arg6[%dma_start3A_23, %dma_start3A_32, %dma_start3A_33] : memref<3x32x1024xf32, #tpu.memory_space<vmem>> -> memref<1x32x1024xf32, #tpu.memory_space<vmem>>
    %dma_start3A_35 = tpu.memref_squeeze %dma_start3A_34 : memref<1x32x1024xf32, #tpu.memory_space<vmem>> -> memref<32x1024xf32, #tpu.memory_space<vmem>>
    tpu.enqueue_dma source(%dma_start3A_35 : memref<32x1024xf32, #tpu.memory_space<vmem>>) target(%dma_start3A_31 : memref<32x1024xf32, #tpu.memory_space<hbm>>) target_semaphore(%arg8 : memref<!tpu.dma_semaphore, #tpu.memory_space<semaphore_mem>>)
    %dma_start3A_36 = arith.constant 1 : i32
    %dma_start3A_37 = arith.constant 0 : i32
    %dma_start3A_38 = arith.constant 0 : i32
    %dma_start3A_39 = tpu.memref_slice %arg6[%dma_start3A_36, %dma_start3A_37, %dma_start3A_38] : memref<3x32x1024xf32, #tpu.memory_space<vmem>> -> memref<1x32x1024xf32, #tpu.memory_space<vmem>>
    %dma_start3A_40 = tpu.memref_squeeze %dma_start3A_39 : memref<1x32x1024xf32, #tpu.memory_space<vmem>> -> memref<32x1024xf32, #tpu.memory_space<vmem>>
    %dma_start3A_41 = arith.constant 32 : i32
    %dma_start3A_42 = tpu.memref_slice %arg5[%dma_start3A_41] : memref<256xi32, #tpu.memory_space<vmem>> -> memref<32xi32, #tpu.memory_space<vmem>>
    %dma_start3A_43 = arith.constant 0 : i32
    %dma_start3A_44 = arith.constant 0 : i32
    %dma_start3A_45 = tpu.memref_slice %arg2[%dma_start3A_43, %dma_start3A_44] : memref<1024x1024xf32, #tpu.memory_space<hbm>> -> memref<1024x1024xf32, #tpu.memory_space<hbm>>
    tpu.enqueue_indirect_dma source(%dma_start3A_45 : memref<1024x1024xf32, #tpu.memory_space<hbm>>) target(%dma_start3A_40 : memref<32x1024xf32, #tpu.memory_space<vmem>>) offsets(%dma_start3A_42 : memref<32xi32, #tpu.memory_space<vmem>>) semaphore(%arg7 : memref<!tpu.dma_semaphore, #tpu.memory_space<semaphore_mem>>)
    %dma_wait3A_46 = arith.constant 1 : i32
    %dma_wait3A_47 = arith.constant 0 : i32
    %dma_wait3A_48 = arith.constant 0 : i32
    %dma_wait3A_49 = tpu.memref_slice %arg6[%dma_wait3A_46, %dma_wait3A_47, %dma_wait3A_48] : memref<3x32x1024xf32, #tpu.memory_space<vmem>> -> memref<1x32x1024xf32, #tpu.memory_space<vmem>>
    %dma_wait3A_50 = tpu.memref_squeeze %dma_wait3A_49 : memref<1x32x1024xf32, #tpu.memory_space<vmem>> -> memref<32x1024xf32, #tpu.memory_space<vmem>>
    %dma_wait3A_51 = arith.constant 32 : i32
    %dma_wait3A_52 = tpu.memref_slice %arg5[%dma_wait3A_51] : memref<256xi32, #tpu.memory_space<vmem>> -> memref<32xi32, #tpu.memory_space<vmem>>
    %dma_wait3A_53 = arith.constant 0 : i32
    %dma_wait3A_54 = arith.constant 0 : i32
    %dma_wait3A_55 = tpu.memref_slice %arg2[%dma_wait3A_53, %dma_wait3A_54] : memref<1024x1024xf32, #tpu.memory_space<hbm>> -> memref<1024x1024xf32, #tpu.memory_space<hbm>>
    tpu.wait_indirect_dma semaphore(%arg7 : memref<!tpu.dma_semaphore, #tpu.memory_space<semaphore_mem>>) src(%dma_wait3A_55 : memref<1024x1024xf32, #tpu.memory_space<hbm>>) dst(%dma_wait3A_50 : memref<32x1024xf32, #tpu.memory_space<vmem>>)
    %add3A_56 = arith.constant 32 : i32
    %add3A_57 = arith.addi %mul3A_2, %add3A_56 : i32
    %dma_start3A_58 = arith.constant 1 : i32
    %dma_start3A_59 = arith.constant 0 : i32
    %dma_start3A_60 = arith.constant 0 : i32
    %dma_start3A_61 = tpu.memref_slice %arg6[%dma_start3A_58, %dma_start3A_59, %dma_start3A_60] : memref<3x32x1024xf32, #tpu.memory_space<vmem>> -> memref<1x32x1024xf32, #tpu.memory_space<vmem>>
    %dma_start3A_62 = tpu.memref_squeeze %dma_start3A_61 : memref<1x32x1024xf32, #tpu.memory_space<vmem>> -> memref<32x1024xf32, #tpu.memory_space<vmem>>
    %dma_start3A_63 = arith.constant 0 : i32
    %dma_start3A_64 = tpu.memref_slice %arg4[%add3A_57, %dma_start3A_63] : memref<8192x1024xf32, #tpu.memory_space<hbm>> -> memref<32x1024xf32, #tpu.memory_space<hbm>>
    %dma_start3A_65 = arith.constant 0 : i32
    %dma_start3A_66 = tpu.memref_slice %arg4[%add3A_57, %dma_start3A_65] : memref<8192x1024xf32, #tpu.memory_space<hbm>> -> memref<32x1024xf32, #tpu.memory_space<hbm>>
    %dma_start3A_67 = arith.constant 0 : i32
    %dma_start3A_68 = arith.constant 0 : i32
    %dma_start3A_69 = tpu.memref_slice %arg6[%dma_start3A_58, %dma_start3A_67, %dma_start3A_68] : memref<3x32x1024xf32, #tpu.memory_space<vmem>> -> memref<1x32x1024xf32, #tpu.memory_space<vmem>>
    %dma_start3A_70 = tpu.memref_squeeze %dma_start3A_69 : memref<1x32x1024xf32, #tpu.memory_space<vmem>> -> memref<32x1024xf32, #tpu.memory_space<vmem>>
    tpu.enqueue_dma source(%dma_start3A_70 : memref<32x1024xf32, #tpu.memory_space<vmem>>) target(%dma_start3A_66 : memref<32x1024xf32, #tpu.memory_space<hbm>>) target_semaphore(%arg9 : memref<!tpu.dma_semaphore, #tpu.memory_space<semaphore_mem>>)
    %dma_start3A_71 = arith.constant 2 : i32
    %dma_start3A_72 = arith.constant 0 : i32
    %dma_start3A_73 = arith.constant 0 : i32
    %dma_start3A_74 = tpu.memref_slice %arg6[%dma_start3A_71, %dma_start3A_72, %dma_start3A_73] : memref<3x32x1024xf32, #tpu.memory_space<vmem>> -> memref<1x32x1024xf32, #tpu.memory_space<vmem>>
    %dma_start3A_75 = tpu.memref_squeeze %dma_start3A_74 : memref<1x32x1024xf32, #tpu.memory_space<vmem>> -> memref<32x1024xf32, #tpu.memory_space<vmem>>
    %dma_start3A_76 = arith.constant 64 : i32
    %dma_start3A_77 = tpu.memref_slice %arg5[%dma_start3A_76] : memref<256xi32, #tpu.memory_space<vmem>> -> memref<32xi32, #tpu.memory_space<vmem>>
    %dma_start3A_78 = arith.constant 0 : i32
    %dma_start3A_79 = arith.constant 0 : i32
    %dma_start3A_80 = tpu.memref_slice %arg2[%dma_start3A_78, %dma_start3A_79] : memref<1024x1024xf32, #tpu.memory_space<hbm>> -> memref<1024x1024xf32, #tpu.memory_space<hbm>>
    tpu.enqueue_indirect_dma source(%dma_start3A_80 : memref<1024x1024xf32, #tpu.memory_space<hbm>>) target(%dma_start3A_75 : memref<32x1024xf32, #tpu.memory_space<vmem>>) offsets(%dma_start3A_77 : memref<32xi32, #tpu.memory_space<vmem>>) semaphore(%arg7 : memref<!tpu.dma_semaphore, #tpu.memory_space<semaphore_mem>>)
    %dma_wait3A_81 = arith.constant 2 : i32
    %dma_wait3A_82 = arith.constant 0 : i32
    %dma_wait3A_83 = arith.constant 0 : i32
    %dma_wait3A_84 = tpu.memref_slice %arg6[%dma_wait3A_81, %dma_wait3A_82, %dma_wait3A_83] : memref<3x32x1024xf32, #tpu.memory_space<vmem>> -> memref<1x32x1024xf32, #tpu.memory_space<vmem>>
    %dma_wait3A_85 = tpu.memref_squeeze %dma_wait3A_84 : memref<1x32x1024xf32, #tpu.memory_space<vmem>> -> memref<32x1024xf32, #tpu.memory_space<vmem>>
    %dma_wait3A_86 = arith.constant 64 : i32
    %dma_wait3A_87 = tpu.memref_slice %arg5[%dma_wait3A_86] : memref<256xi32, #tpu.memory_space<vmem>> -> memref<32xi32, #tpu.memory_space<vmem>>
    %dma_wait3A_88 = arith.constant 0 : i32
    %dma_wait3A_89 = arith.constant 0 : i32
    %dma_wait3A_90 = tpu.memref_slice %arg2[%dma_wait3A_88, %dma_wait3A_89] : memref<1024x1024xf32, #tpu.memory_space<hbm>> -> memref<1024x1024xf32, #tpu.memory_space<hbm>>
    tpu.wait_indirect_dma semaphore(%arg7 : memref<!tpu.dma_semaphore, #tpu.memory_space<semaphore_mem>>) src(%dma_wait3A_90 : memref<1024x1024xf32, #tpu.memory_space<hbm>>) dst(%dma_wait3A_85 : memref<32x1024xf32, #tpu.memory_space<vmem>>)
    %add3A_91 = arith.constant 64 : i32
    %add3A_92 = arith.addi %mul3A_2, %add3A_91 : i32
    %dma_start3A_93 = arith.constant 2 : i32
    %dma_start3A_94 = arith.constant 0 : i32
    %dma_start3A_95 = arith.constant 0 : i32
    %dma_start3A_96 = tpu.memref_slice %arg6[%dma_start3A_93, %dma_start3A_94, %dma_start3A_95] : memref<3x32x1024xf32, #tpu.memory_space<vmem>> -> memref<1x32x1024xf32, #tpu.memory_space<vmem>>
    %dma_start3A_97 = tpu.memref_squeeze %dma_start3A_96 : memref<1x32x1024xf32, #tpu.memory_space<vmem>> -> memref<32x1024xf32, #tpu.memory_space<vmem>>
    %dma_start3A_98 = arith.constant 0 : i32
    %dma_start3A_99 = tpu.memref_slice %arg4[%add3A_92, %dma_start3A_98] : memref<8192x1024xf32, #tpu.memory_space<hbm>> -> memref<32x1024xf32, #tpu.memory_space<hbm>>
    %dma_start3A_100 = arith.constant 0 : i32
    %dma_start3A_101 = tpu.memref_slice %arg4[%add3A_92, %dma_start3A_100] : memref<8192x1024xf32, #tpu.memory_space<hbm>> -> memref<32x1024xf32, #tpu.memory_space<hbm>>
    %dma_start3A_102 = arith.constant 0 : i32
    %dma_start3A_103 = arith.constant 0 : i32
    %dma_start3A_104 = tpu.memref_slice %arg6[%dma_start3A_93, %dma_start3A_102, %dma_start3A_103] : memref<3x32x1024xf32, #tpu.memory_space<vmem>> -> memref<1x32x1024xf32, #tpu.memory_space<vmem>>
    %dma_start3A_105 = tpu.memref_squeeze %dma_start3A_104 : memref<1x32x1024xf32, #tpu.memory_space<vmem>> -> memref<32x1024xf32, #tpu.memory_space<vmem>>
    tpu.enqueue_dma source(%dma_start3A_105 : memref<32x1024xf32, #tpu.memory_space<vmem>>) target(%dma_start3A_101 : memref<32x1024xf32, #tpu.memory_space<hbm>>) target_semaphore(%arg10 : memref<!tpu.dma_semaphore, #tpu.memory_space<semaphore_mem>>)
    %dma_start3A_106 = arith.constant 0 : i32
    %dma_start3A_107 = arith.constant 0 : i32
    %dma_start3A_108 = arith.constant 0 : i32
    %dma_start3A_109 = tpu.memref_slice %arg6[%dma_start3A_106, %dma_start3A_107, %dma_start3A_108] : memref<3x32x1024xf32, #tpu.memory_space<vmem>> -> memref<1x32x1024xf32, #tpu.memory_space<vmem>>
    %dma_start3A_110 = tpu.memref_squeeze %dma_start3A_109 : memref<1x32x1024xf32, #tpu.memory_space<vmem>> -> memref<32x1024xf32, #tpu.memory_space<vmem>>
    %dma_start3A_111 = arith.constant 96 : i32
    %dma_start3A_112 = tpu.memref_slice %arg5[%dma_start3A_111] : memref<256xi32, #tpu.memory_space<vmem>> -> memref<32xi32, #tpu.memory_space<vmem>>
    %dma_start3A_113 = arith.constant 0 : i32
    %dma_start3A_114 = arith.constant 0 : i32
    %dma_start3A_115 = tpu.memref_slice %arg2[%dma_start3A_113, %dma_start3A_114] : memref<1024x1024xf32, #tpu.memory_space<hbm>> -> memref<1024x1024xf32, #tpu.memory_space<hbm>>
    tpu.enqueue_indirect_dma source(%dma_start3A_115 : memref<1024x1024xf32, #tpu.memory_space<hbm>>) target(%dma_start3A_110 : memref<32x1024xf32, #tpu.memory_space<vmem>>) offsets(%dma_start3A_112 : memref<32xi32, #tpu.memory_space<vmem>>) semaphore(%arg7 : memref<!tpu.dma_semaphore, #tpu.memory_space<semaphore_mem>>)
    %dma_wait3A_116 = arith.constant 0 : i32
    %dma_wait3A_117 = arith.constant 0 : i32
    %dma_wait3A_118 = arith.constant 0 : i32
    %dma_wait3A_119 = tpu.memref_slice %arg6[%dma_wait3A_116, %dma_wait3A_117, %dma_wait3A_118] : memref<3x32x1024xf32, #tpu.memory_space<vmem>> -> memref<1x32x1024xf32, #tpu.memory_space<vmem>>
    %dma_wait3A_120 = tpu.memref_squeeze %dma_wait3A_119 : memref<1x32x1024xf32, #tpu.memory_space<vmem>> -> memref<32x1024xf32, #tpu.memory_space<vmem>>
    %dma_wait3A_121 = arith.constant 0 : i32
    %dma_wait3A_122 = tpu.memref_slice %arg4[%add3A_22, %dma_wait3A_121] : memref<8192x1024xf32, #tpu.memory_space<hbm>> -> memref<32x1024xf32, #tpu.memory_space<hbm>>
    %dma_wait3A_123 = arith.constant 0 : i32
    %dma_wait3A_124 = tpu.memref_slice %arg4[%add3A_22, %dma_wait3A_123] : memref<8192x1024xf32, #tpu.memory_space<hbm>> -> memref<32x1024xf32, #tpu.memory_space<hbm>>
    %dma_wait3A_125 = arith.constant 0 : i32
    %dma_wait3A_126 = arith.constant 0 : i32
    %dma_wait3A_127 = tpu.memref_slice %arg6[%dma_wait3A_116, %dma_wait3A_125, %dma_wait3A_126] : memref<3x32x1024xf32, #tpu.memory_space<vmem>> -> memref<1x32x1024xf32, #tpu.memory_space<vmem>>
    %dma_wait3A_128 = tpu.memref_squeeze %dma_wait3A_127 : memref<1x32x1024xf32, #tpu.memory_space<vmem>> -> memref<32x1024xf32, #tpu.memory_space<vmem>>
    tpu.wait_dma2 semaphore(%arg8 : memref<!tpu.dma_semaphore, #tpu.memory_space<semaphore_mem>>) src(%dma_wait3A_128 : memref<32x1024xf32, #tpu.memory_space<vmem>>) dst(%dma_wait3A_124 : memref<32x1024xf32, #tpu.memory_space<hbm>>)
    %dma_wait3A_129 = arith.constant 0 : i32
    %dma_wait3A_130 = arith.constant 0 : i32
    %dma_wait3A_131 = arith.constant 0 : i32
    %dma_wait3A_132 = tpu.memref_slice %arg6[%dma_wait3A_129, %dma_wait3A_130, %dma_wait3A_131] : memref<3x32x1024xf32, #tpu.memory_space<vmem>> -> memref<1x32x1024xf32, #tpu.memory_space<vmem>>
    %dma_wait3A_133 = tpu.memref_squeeze %dma_wait3A_132 : memref<1x32x1024xf32, #tpu.memory_space<vmem>> -> memref<32x1024xf32, #tpu.memory_space<vmem>>
    %dma_wait3A_134 = arith.constant 96 : i32
    %dma_wait3A_135 = tpu.memref_slice %arg5[%dma_wait3A_134] : memref<256xi32, #tpu.memory_space<vmem>> -> memref<32xi32, #tpu.memory_space<vmem>>
    %dma_wait3A_136 = arith.constant 0 : i32
    %dma_wait3A_137 = arith.constant 0 : i32
    %dma_wait3A_138 = tpu.memref_slice %arg2[%dma_wait3A_136, %dma_wait3A_137] : memref<1024x1024xf32, #tpu.memory_space<hbm>> -> memref<1024x1024xf32, #tpu.memory_space<hbm>>
    tpu.wait_indirect_dma semaphore(%arg7 : memref<!tpu.dma_semaphore, #tpu.memory_space<semaphore_mem>>) src(%dma_wait3A_138 : memref<1024x1024xf32, #tpu.memory_space<hbm>>) dst(%dma_wait3A_133 : memref<32x1024xf32, #tpu.memory_space<vmem>>)
    %add3A_139 = arith.constant 96 : i32
    %add3A_140 = arith.addi %mul3A_2, %add3A_139 : i32
    %dma_start3A_141 = arith.constant 0 : i32
    %dma_start3A_142 = arith.constant 0 : i32
    %dma_start3A_143 = arith.constant 0 : i32
    %dma_start3A_144 = tpu.memref_slice %arg6[%dma_start3A_141, %dma_start3A_142, %dma_start3A_143] : memref<3x32x1024xf32, #tpu.memory_space<vmem>> -> memref<1x32x1024xf32, #tpu.memory_space<vmem>>
    %dma_start3A_145 = tpu.memref_squeeze %dma_start3A_144 : memref<1x32x1024xf32, #tpu.memory_space<vmem>> -> memref<32x1024xf32, #tpu.memory_space<vmem>>
    %dma_start3A_146 = arith.constant 0 : i32
    %dma_start3A_147 = tpu.memref_slice %arg4[%add3A_140, %dma_start3A_146] : memref<8192x1024xf32, #tpu.memory_space<hbm>> -> memref<32x1024xf32, #tpu.memory_space<hbm>>
    %dma_start3A_148 = arith.constant 0 : i32
    %dma_start3A_149 = tpu.memref_slice %arg4[%add3A_140, %dma_start3A_148] : memref<8192x1024xf32, #tpu.memory_space<hbm>> -> memref<32x1024xf32, #tpu.memory_space<hbm>>
    %dma_start3A_150 = arith.constant 0 : i32
    %dma_start3A_151 = arith.constant 0 : i32
    %dma_start3A_152 = tpu.memref_slice %arg6[%dma_start3A_141, %dma_start3A_150, %dma_start3A_151] : memref<3x32x1024xf32, #tpu.memory_space<vmem>> -> memref<1x32x1024xf32, #tpu.memory_space<vmem>>
    %dma_start3A_153 = tpu.memref_squeeze %dma_start3A_152 : memref<1x32x1024xf32, #tpu.memory_space<vmem>> -> memref<32x1024xf32, #tpu.memory_space<vmem>>
    tpu.enqueue_dma source(%dma_start3A_153 : memref<32x1024xf32, #tpu.memory_space<vmem>>) target(%dma_start3A_149 : memref<32x1024xf32, #tpu.memory_space<hbm>>) target_semaphore(%arg8 : memref<!tpu.dma_semaphore, #tpu.memory_space<semaphore_mem>>)
    %dma_start3A_154 = arith.constant 1 : i32
    %dma_start3A_155 = arith.constant 0 : i32
    %dma_start3A_156 = arith.constant 0 : i32
    %dma_start3A_157 = tpu.memref_slice %arg6[%dma_start3A_154, %dma_start3A_155, %dma_start3A_156] : memref<3x32x1024xf32, #tpu.memory_space<vmem>> -> memref<1x32x1024xf32, #tpu.memory_space<vmem>>
    %dma_start3A_158 = tpu.memref_squeeze %dma_start3A_157 : memref<1x32x1024xf32, #tpu.memory_space<vmem>> -> memref<32x1024xf32, #tpu.memory_space<vmem>>
    %dma_start3A_159 = arith.constant 128 : i32
    %dma_start3A_160 = tpu.memref_slice %arg5[%dma_start3A_159] : memref<256xi32, #tpu.memory_space<vmem>> -> memref<32xi32, #tpu.memory_space<vmem>>
    %dma_start3A_161 = arith.constant 0 : i32
    %dma_start3A_162 = arith.constant 0 : i32
    %dma_start3A_163 = tpu.memref_slice %arg2[%dma_start3A_161, %dma_start3A_162] : memref<1024x1024xf32, #tpu.memory_space<hbm>> -> memref<1024x1024xf32, #tpu.memory_space<hbm>>
    tpu.enqueue_indirect_dma source(%dma_start3A_163 : memref<1024x1024xf32, #tpu.memory_space<hbm>>) target(%dma_start3A_158 : memref<32x1024xf32, #tpu.memory_space<vmem>>) offsets(%dma_start3A_160 : memref<32xi32, #tpu.memory_space<vmem>>) semaphore(%arg7 : memref<!tpu.dma_semaphore, #tpu.memory_space<semaphore_mem>>)
    %dma_wait3A_164 = arith.constant 1 : i32
    %dma_wait3A_165 = arith.constant 0 : i32
    %dma_wait3A_166 = arith.constant 0 : i32
    %dma_wait3A_167 = tpu.memref_slice %arg6[%dma_wait3A_164, %dma_wait3A_165, %dma_wait3A_166] : memref<3x32x1024xf32, #tpu.memory_space<vmem>> -> memref<1x32x1024xf32, #tpu.memory_space<vmem>>
    %dma_wait3A_168 = tpu.memref_squeeze %dma_wait3A_167 : memref<1x32x1024xf32, #tpu.memory_space<vmem>> -> memref<32x1024xf32, #tpu.memory_space<vmem>>
    %dma_wait3A_169 = arith.constant 0 : i32
    %dma_wait3A_170 = tpu.memref_slice %arg4[%add3A_57, %dma_wait3A_169] : memref<8192x1024xf32, #tpu.memory_space<hbm>> -> memref<32x1024xf32, #tpu.memory_space<hbm>>
    %dma_wait3A_171 = arith.constant 0 : i32
    %dma_wait3A_172 = tpu.memref_slice %arg4[%add3A_57, %dma_wait3A_171] : memref<8192x1024xf32, #tpu.memory_space<hbm>> -> memref<32x1024xf32, #tpu.memory_space<hbm>>
    %dma_wait3A_173 = arith.constant 0 : i32
    %dma_wait3A_174 = arith.constant 0 : i32
    %dma_wait3A_175 = tpu.memref_slice %arg6[%dma_wait3A_164, %dma_wait3A_173, %dma_wait3A_174] : memref<3x32x1024xf32, #tpu.memory_space<vmem>> -> memref<1x32x1024xf32, #tpu.memory_space<vmem>>
    %dma_wait3A_176 = tpu.memref_squeeze %dma_wait3A_175 : memref<1x32x1024xf32, #tpu.memory_space<vmem>> -> memref<32x1024xf32, #tpu.memory_space<vmem>>
    tpu.wait_dma2 semaphore(%arg9 : memref<!tpu.dma_semaphore, #tpu.memory_space<semaphore_mem>>) src(%dma_wait3A_176 : memref<32x1024xf32, #tpu.memory_space<vmem>>) dst(%dma_wait3A_172 : memref<32x1024xf32, #tpu.memory_space<hbm>>)
    %dma_wait3A_177 = arith.constant 1 : i32
    %dma_wait3A_178 = arith.constant 0 : i32
    %dma_wait3A_179 = arith.constant 0 : i32
    %dma_wait3A_180 = tpu.memref_slice %arg6[%dma_wait3A_177, %dma_wait3A_178, %dma_wait3A_179] : memref<3x32x1024xf32, #tpu.memory_space<vmem>> -> memref<1x32x1024xf32, #tpu.memory_space<vmem>>
    %dma_wait3A_181 = tpu.memref_squeeze %dma_wait3A_180 : memref<1x32x1024xf32, #tpu.memory_space<vmem>> -> memref<32x1024xf32, #tpu.memory_space<vmem>>
    %dma_wait3A_182 = arith.constant 128 : i32
    %dma_wait3A_183 = tpu.memref_slice %arg5[%dma_wait3A_182] : memref<256xi32, #tpu.memory_space<vmem>> -> memref<32xi32, #tpu.memory_space<vmem>>
    %dma_wait3A_184 = arith.constant 0 : i32
    %dma_wait3A_185 = arith.constant 0 : i32
    %dma_wait3A_186 = tpu.memref_slice %arg2[%dma_wait3A_184, %dma_wait3A_185] : memref<1024x1024xf32, #tpu.memory_space<hbm>> -> memref<1024x1024xf32, #tpu.memory_space<hbm>>
    tpu.wait_indirect_dma semaphore(%arg7 : memref<!tpu.dma_semaphore, #tpu.memory_space<semaphore_mem>>) src(%dma_wait3A_186 : memref<1024x1024xf32, #tpu.memory_space<hbm>>) dst(%dma_wait3A_181 : memref<32x1024xf32, #tpu.memory_space<vmem>>)
    %add3A_187 = arith.constant 128 : i32
    %add3A_188 = arith.addi %mul3A_2, %add3A_187 : i32
    %dma_start3A_189 = arith.constant 1 : i32
    %dma_start3A_190 = arith.constant 0 : i32
    %dma_start3A_191 = arith.constant 0 : i32
    %dma_start3A_192 = tpu.memref_slice %arg6[%dma_start3A_189, %dma_start3A_190, %dma_start3A_191] : memref<3x32x1024xf32, #tpu.memory_space<vmem>> -> memref<1x32x1024xf32, #tpu.memory_space<vmem>>
    %dma_start3A_193 = tpu.memref_squeeze %dma_start3A_192 : memref<1x32x1024xf32, #tpu.memory_space<vmem>> -> memref<32x1024xf32, #tpu.memory_space<vmem>>
    %dma_start3A_194 = arith.constant 0 : i32
    %dma_start3A_195 = tpu.memref_slice %arg4[%add3A_188, %dma_start3A_194] : memref<8192x1024xf32, #tpu.memory_space<hbm>> -> memref<32x1024xf32, #tpu.memory_space<hbm>>
    %dma_start3A_196 = arith.constant 0 : i32
    %dma_start3A_197 = tpu.memref_slice %arg4[%add3A_188, %dma_start3A_196] : memref<8192x1024xf32, #tpu.memory_space<hbm>> -> memref<32x1024xf32, #tpu.memory_space<hbm>>
    %dma_start3A_198 = arith.constant 0 : i32
    %dma_start3A_199 = arith.constant 0 : i32
    %dma_start3A_200 = tpu.memref_slice %arg6[%dma_start3A_189, %dma_start3A_198, %dma_start3A_199] : memref<3x32x1024xf32, #tpu.memory_space<vmem>> -> memref<1x32x1024xf32, #tpu.memory_space<vmem>>
    %dma_start3A_201 = tpu.memref_squeeze %dma_start3A_200 : memref<1x32x1024xf32, #tpu.memory_space<vmem>> -> memref<32x1024xf32, #tpu.memory_space<vmem>>
    tpu.enqueue_dma source(%dma_start3A_201 : memref<32x1024xf32, #tpu.memory_space<vmem>>) target(%dma_start3A_197 : memref<32x1024xf32, #tpu.memory_space<hbm>>) target_semaphore(%arg9 : memref<!tpu.dma_semaphore, #tpu.memory_space<semaphore_mem>>)
    %dma_start3A_202 = arith.constant 2 : i32
    %dma_start3A_203 = arith.constant 0 : i32
    %dma_start3A_204 = arith.constant 0 : i32
    %dma_start3A_205 = tpu.memref_slice %arg6[%dma_start3A_202, %dma_start3A_203, %dma_start3A_204] : memref<3x32x1024xf32, #tpu.memory_space<vmem>> -> memref<1x32x1024xf32, #tpu.memory_space<vmem>>
    %dma_start3A_206 = tpu.memref_squeeze %dma_start3A_205 : memref<1x32x1024xf32, #tpu.memory_space<vmem>> -> memref<32x1024xf32, #tpu.memory_space<vmem>>
    %dma_start3A_207 = arith.constant 160 : i32
    %dma_start3A_208 = tpu.memref_slice %arg5[%dma_start3A_207] : memref<256xi32, #tpu.memory_space<vmem>> -> memref<32xi32, #tpu.memory_space<vmem>>
    %dma_start3A_209 = arith.constant 0 : i32
    %dma_start3A_210 = arith.constant 0 : i32
    %dma_start3A_211 = tpu.memref_slice %arg2[%dma_start3A_209, %dma_start3A_210] : memref<1024x1024xf32, #tpu.memory_space<hbm>> -> memref<1024x1024xf32, #tpu.memory_space<hbm>>
    tpu.enqueue_indirect_dma source(%dma_start3A_211 : memref<1024x1024xf32, #tpu.memory_space<hbm>>) target(%dma_start3A_206 : memref<32x1024xf32, #tpu.memory_space<vmem>>) offsets(%dma_start3A_208 : memref<32xi32, #tpu.memory_space<vmem>>) semaphore(%arg7 : memref<!tpu.dma_semaphore, #tpu.memory_space<semaphore_mem>>)
    %dma_wait3A_212 = arith.constant 2 : i32
    %dma_wait3A_213 = arith.constant 0 : i32
    %dma_wait3A_214 = arith.constant 0 : i32
    %dma_wait3A_215 = tpu.memref_slice %arg6[%dma_wait3A_212, %dma_wait3A_213, %dma_wait3A_214] : memref<3x32x1024xf32, #tpu.memory_space<vmem>> -> memref<1x32x1024xf32, #tpu.memory_space<vmem>>
    %dma_wait3A_216 = tpu.memref_squeeze %dma_wait3A_215 : memref<1x32x1024xf32, #tpu.memory_space<vmem>> -> memref<32x1024xf32, #tpu.memory_space<vmem>>
    %dma_wait3A_217 = arith.constant 0 : i32
    %dma_wait3A_218 = tpu.memref_slice %arg4[%add3A_92, %dma_wait3A_217] : memref<8192x1024xf32, #tpu.memory_space<hbm>> -> memref<32x1024xf32, #tpu.memory_space<hbm>>
    %dma_wait3A_219 = arith.constant 0 : i32
    %dma_wait3A_220 = tpu.memref_slice %arg4[%add3A_92, %dma_wait3A_219] : memref<8192x1024xf32, #tpu.memory_space<hbm>> -> memref<32x1024xf32, #tpu.memory_space<hbm>>
    %dma_wait3A_221 = arith.constant 0 : i32
    %dma_wait3A_222 = arith.constant 0 : i32
    %dma_wait3A_223 = tpu.memref_slice %arg6[%dma_wait3A_212, %dma_wait3A_221, %dma_wait3A_222] : memref<3x32x1024xf32, #tpu.memory_space<vmem>> -> memref<1x32x1024xf32, #tpu.memory_space<vmem>>
    %dma_wait3A_224 = tpu.memref_squeeze %dma_wait3A_223 : memref<1x32x1024xf32, #tpu.memory_space<vmem>> -> memref<32x1024xf32, #tpu.memory_space<vmem>>
    tpu.wait_dma2 semaphore(%arg10 : memref<!tpu.dma_semaphore, #tpu.memory_space<semaphore_mem>>) src(%dma_wait3A_224 : memref<32x1024xf32, #tpu.memory_space<vmem>>) dst(%dma_wait3A_220 : memref<32x1024xf32, #tpu.memory_space<hbm>>)
    %dma_wait3A_225 = arith.constant 2 : i32
    %dma_wait3A_226 = arith.constant 0 : i32
    %dma_wait3A_227 = arith.constant 0 : i32
    %dma_wait3A_228 = tpu.memref_slice %arg6[%dma_wait3A_225, %dma_wait3A_226, %dma_wait3A_227] : memref<3x32x1024xf32, #tpu.memory_space<vmem>> -> memref<1x32x1024xf32, #tpu.memory_space<vmem>>
    %dma_wait3A_229 = tpu.memref_squeeze %dma_wait3A_228 : memref<1x32x1024xf32, #tpu.memory_space<vmem>> -> memref<32x1024xf32, #tpu.memory_space<vmem>>
    %dma_wait3A_230 = arith.constant 160 : i32
    %dma_wait3A_231 = tpu.memref_slice %arg5[%dma_wait3A_230] : memref<256xi32, #tpu.memory_space<vmem>> -> memref<32xi32, #tpu.memory_space<vmem>>
    %dma_wait3A_232 = arith.constant 0 : i32
    %dma_wait3A_233 = arith.constant 0 : i32
    %dma_wait3A_234 = tpu.memref_slice %arg2[%dma_wait3A_232, %dma_wait3A_233] : memref<1024x1024xf32, #tpu.memory_space<hbm>> -> memref<1024x1024xf32, #tpu.memory_space<hbm>>
    tpu.wait_indirect_dma semaphore(%arg7 : memref<!tpu.dma_semaphore, #tpu.memory_space<semaphore_mem>>) src(%dma_wait3A_234 : memref<1024x1024xf32, #tpu.memory_space<hbm>>) dst(%dma_wait3A_229 : memref<32x1024xf32, #tpu.memory_space<vmem>>)
    %add3A_235 = arith.constant 160 : i32
    %add3A_236 = arith.addi %mul3A_2, %add3A_235 : i32
    %dma_start3A_237 = arith.constant 2 : i32
    %dma_start3A_238 = arith.constant 0 : i32
    %dma_start3A_239 = arith.constant 0 : i32
    %dma_start3A_240 = tpu.memref_slice %arg6[%dma_start3A_237, %dma_start3A_238, %dma_start3A_239] : memref<3x32x1024xf32, #tpu.memory_space<vmem>> -> memref<1x32x1024xf32, #tpu.memory_space<vmem>>
    %dma_start3A_241 = tpu.memref_squeeze %dma_start3A_240 : memref<1x32x1024xf32, #tpu.memory_space<vmem>> -> memref<32x1024xf32, #tpu.memory_space<vmem>>
    %dma_start3A_242 = arith.constant 0 : i32
    %dma_start3A_243 = tpu.memref_slice %arg4[%add3A_236, %dma_start3A_242] : memref<8192x1024xf32, #tpu.memory_space<hbm>> -> memref<32x1024xf32, #tpu.memory_space<hbm>>
    %dma_start3A_244 = arith.constant 0 : i32
    %dma_start3A_245 = tpu.memref_slice %arg4[%add3A_236, %dma_start3A_244] : memref<8192x1024xf32, #tpu.memory_space<hbm>> -> memref<32x1024xf32, #tpu.memory_space<hbm>>
    %dma_start3A_246 = arith.constant 0 : i32
    %dma_start3A_247 = arith.constant 0 : i32
    %dma_start3A_248 = tpu.memref_slice %arg6[%dma_start3A_237, %dma_start3A_246, %dma_start3A_247] : memref<3x32x1024xf32, #tpu.memory_space<vmem>> -> memref<1x32x1024xf32, #tpu.memory_space<vmem>>
    %dma_start3A_249 = tpu.memref_squeeze %dma_start3A_248 : memref<1x32x1024xf32, #tpu.memory_space<vmem>> -> memref<32x1024xf32, #tpu.memory_space<vmem>>
    tpu.enqueue_dma source(%dma_start3A_249 : memref<32x1024xf32, #tpu.memory_space<vmem>>) target(%dma_start3A_245 : memref<32x1024xf32, #tpu.memory_space<hbm>>) target_semaphore(%arg10 : memref<!tpu.dma_semaphore, #tpu.memory_space<semaphore_mem>>)
    %dma_start3A_250 = arith.constant 0 : i32
    %dma_start3A_251 = arith.constant 0 : i32
    %dma_start3A_252 = arith.constant 0 : i32
    %dma_start3A_253 = tpu.memref_slice %arg6[%dma_start3A_250, %dma_start3A_251, %dma_start3A_252] : memref<3x32x1024xf32, #tpu.memory_space<vmem>> -> memref<1x32x1024xf32, #tpu.memory_space<vmem>>
    %dma_start3A_254 = tpu.memref_squeeze %dma_start3A_253 : memref<1x32x1024xf32, #tpu.memory_space<vmem>> -> memref<32x1024xf32, #tpu.memory_space<vmem>>
    %dma_start3A_255 = arith.constant 192 : i32
    %dma_start3A_256 = tpu.memref_slice %arg5[%dma_start3A_255] : memref<256xi32, #tpu.memory_space<vmem>> -> memref<32xi32, #tpu.memory_space<vmem>>
    %dma_start3A_257 = arith.constant 0 : i32
    %dma_start3A_258 = arith.constant 0 : i32
    %dma_start3A_259 = tpu.memref_slice %arg2[%dma_start3A_257, %dma_start3A_258] : memref<1024x1024xf32, #tpu.memory_space<hbm>> -> memref<1024x1024xf32, #tpu.memory_space<hbm>>
    tpu.enqueue_indirect_dma source(%dma_start3A_259 : memref<1024x1024xf32, #tpu.memory_space<hbm>>) target(%dma_start3A_254 : memref<32x1024xf32, #tpu.memory_space<vmem>>) offsets(%dma_start3A_256 : memref<32xi32, #tpu.memory_space<vmem>>) semaphore(%arg7 : memref<!tpu.dma_semaphore, #tpu.memory_space<semaphore_mem>>)
    %dma_wait3A_260 = arith.constant 0 : i32
    %dma_wait3A_261 = arith.constant 0 : i32
    %dma_wait3A_262 = arith.constant 0 : i32
    %dma_wait3A_263 = tpu.memref_slice %arg6[%dma_wait3A_260, %dma_wait3A_261, %dma_wait3A_262] : memref<3x32x1024xf32, #tpu.memory_space<vmem>> -> memref<1x32x1024xf32, #tpu.memory_space<vmem>>
    %dma_wait3A_264 = tpu.memref_squeeze %dma_wait3A_263 : memref<1x32x1024xf32, #tpu.memory_space<vmem>> -> memref<32x1024xf32, #tpu.memory_space<vmem>>
    %dma_wait3A_265 = arith.constant 0 : i32
    %dma_wait3A_266 = tpu.memref_slice %arg4[%add3A_140, %dma_wait3A_265] : memref<8192x1024xf32, #tpu.memory_space<hbm>> -> memref<32x1024xf32, #tpu.memory_space<hbm>>
    %dma_wait3A_267 = arith.constant 0 : i32
    %dma_wait3A_268 = tpu.memref_slice %arg4[%add3A_140, %dma_wait3A_267] : memref<8192x1024xf32, #tpu.memory_space<hbm>> -> memref<32x1024xf32, #tpu.memory_space<hbm>>
    %dma_wait3A_269 = arith.constant 0 : i32
    %dma_wait3A_270 = arith.constant 0 : i32
    %dma_wait3A_271 = tpu.memref_slice %arg6[%dma_wait3A_260, %dma_wait3A_269, %dma_wait3A_270] : memref<3x32x1024xf32, #tpu.memory_space<vmem>> -> memref<1x32x1024xf32, #tpu.memory_space<vmem>>
    %dma_wait3A_272 = tpu.memref_squeeze %dma_wait3A_271 : memref<1x32x1024xf32, #tpu.memory_space<vmem>> -> memref<32x1024xf32, #tpu.memory_space<vmem>>
    tpu.wait_dma2 semaphore(%arg8 : memref<!tpu.dma_semaphore, #tpu.memory_space<semaphore_mem>>) src(%dma_wait3A_272 : memref<32x1024xf32, #tpu.memory_space<vmem>>) dst(%dma_wait3A_268 : memref<32x1024xf32, #tpu.memory_space<hbm>>)
    %dma_wait3A_273 = arith.constant 0 : i32
    %dma_wait3A_274 = arith.constant 0 : i32
    %dma_wait3A_275 = arith.constant 0 : i32
    %dma_wait3A_276 = tpu.memref_slice %arg6[%dma_wait3A_273, %dma_wait3A_274, %dma_wait3A_275] : memref<3x32x1024xf32, #tpu.memory_space<vmem>> -> memref<1x32x1024xf32, #tpu.memory_space<vmem>>
    %dma_wait3A_277 = tpu.memref_squeeze %dma_wait3A_276 : memref<1x32x1024xf32, #tpu.memory_space<vmem>> -> memref<32x1024xf32, #tpu.memory_space<vmem>>
    %dma_wait3A_278 = arith.constant 192 : i32
    %dma_wait3A_279 = tpu.memref_slice %arg5[%dma_wait3A_278] : memref<256xi32, #tpu.memory_space<vmem>> -> memref<32xi32, #tpu.memory_space<vmem>>
    %dma_wait3A_280 = arith.constant 0 : i32
    %dma_wait3A_281 = arith.constant 0 : i32
    %dma_wait3A_282 = tpu.memref_slice %arg2[%dma_wait3A_280, %dma_wait3A_281] : memref<1024x1024xf32, #tpu.memory_space<hbm>> -> memref<1024x1024xf32, #tpu.memory_space<hbm>>
    tpu.wait_indirect_dma semaphore(%arg7 : memref<!tpu.dma_semaphore, #tpu.memory_space<semaphore_mem>>) src(%dma_wait3A_282 : memref<1024x1024xf32, #tpu.memory_space<hbm>>) dst(%dma_wait3A_277 : memref<32x1024xf32, #tpu.memory_space<vmem>>)
    %add3A_283 = arith.constant 192 : i32
    %add3A_284 = arith.addi %mul3A_2, %add3A_283 : i32
    %dma_start3A_285 = arith.constant 0 : i32
    %dma_start3A_286 = arith.constant 0 : i32
    %dma_start3A_287 = arith.constant 0 : i32
    %dma_start3A_288 = tpu.memref_slice %arg6[%dma_start3A_285, %dma_start3A_286, %dma_start3A_287] : memref<3x32x1024xf32, #tpu.memory_space<vmem>> -> memref<1x32x1024xf32, #tpu.memory_space<vmem>>
    %dma_start3A_289 = tpu.memref_squeeze %dma_start3A_288 : memref<1x32x1024xf32, #tpu.memory_space<vmem>> -> memref<32x1024xf32, #tpu.memory_space<vmem>>
    %dma_start3A_290 = arith.constant 0 : i32
    %dma_start3A_291 = tpu.memref_slice %arg4[%add3A_284, %dma_start3A_290] : memref<8192x1024xf32, #tpu.memory_space<hbm>> -> memref<32x1024xf32, #tpu.memory_space<hbm>>
    %dma_start3A_292 = arith.constant 0 : i32
    %dma_start3A_293 = tpu.memref_slice %arg4[%add3A_284, %dma_start3A_292] : memref<8192x1024xf32, #tpu.memory_space<hbm>> -> memref<32x1024xf32, #tpu.memory_space<hbm>>
    %dma_start3A_294 = arith.constant 0 : i32
    %dma_start3A_295 = arith.constant 0 : i32
    %dma_start3A_296 = tpu.memref_slice %arg6[%dma_start3A_285, %dma_start3A_294, %dma_start3A_295] : memref<3x32x1024xf32, #tpu.memory_space<vmem>> -> memref<1x32x1024xf32, #tpu.memory_space<vmem>>
    %dma_start3A_297 = tpu.memref_squeeze %dma_start3A_296 : memref<1x32x1024xf32, #tpu.memory_space<vmem>> -> memref<32x1024xf32, #tpu.memory_space<vmem>>
    tpu.enqueue_dma source(%dma_start3A_297 : memref<32x1024xf32, #tpu.memory_space<vmem>>) target(%dma_start3A_293 : memref<32x1024xf32, #tpu.memory_space<hbm>>) target_semaphore(%arg8 : memref<!tpu.dma_semaphore, #tpu.memory_space<semaphore_mem>>)
    %dma_start3A_298 = arith.constant 1 : i32
    %dma_start3A_299 = arith.constant 0 : i32
    %dma_start3A_300 = arith.constant 0 : i32
    %dma_start3A_301 = tpu.memref_slice %arg6[%dma_start3A_298, %dma_start3A_299, %dma_start3A_300] : memref<3x32x1024xf32, #tpu.memory_space<vmem>> -> memref<1x32x1024xf32, #tpu.memory_space<vmem>>
    %dma_start3A_302 = tpu.memref_squeeze %dma_start3A_301 : memref<1x32x1024xf32, #tpu.memory_space<vmem>> -> memref<32x1024xf32, #tpu.memory_space<vmem>>
    %dma_start3A_303 = arith.constant 224 : i32
    %dma_start3A_304 = tpu.memref_slice %arg5[%dma_start3A_303] : memref<256xi32, #tpu.memory_space<vmem>> -> memref<32xi32, #tpu.memory_space<vmem>>
    %dma_start3A_305 = arith.constant 0 : i32
    %dma_start3A_306 = arith.constant 0 : i32
    %dma_start3A_307 = tpu.memref_slice %arg2[%dma_start3A_305, %dma_start3A_306] : memref<1024x1024xf32, #tpu.memory_space<hbm>> -> memref<1024x1024xf32, #tpu.memory_space<hbm>>
    tpu.enqueue_indirect_dma source(%dma_start3A_307 : memref<1024x1024xf32, #tpu.memory_space<hbm>>) target(%dma_start3A_302 : memref<32x1024xf32, #tpu.memory_space<vmem>>) offsets(%dma_start3A_304 : memref<32xi32, #tpu.memory_space<vmem>>) semaphore(%arg7 : memref<!tpu.dma_semaphore, #tpu.memory_space<semaphore_mem>>)
    %dma_wait3A_308 = arith.constant 1 : i32
    %dma_wait3A_309 = arith.constant 0 : i32
    %dma_wait3A_310 = arith.constant 0 : i32
    %dma_wait3A_311 = tpu.memref_slice %arg6[%dma_wait3A_308, %dma_wait3A_309, %dma_wait3A_310] : memref<3x32x1024xf32, #tpu.memory_space<vmem>> -> memref<1x32x1024xf32, #tpu.memory_space<vmem>>
    %dma_wait3A_312 = tpu.memref_squeeze %dma_wait3A_311 : memref<1x32x1024xf32, #tpu.memory_space<vmem>> -> memref<32x1024xf32, #tpu.memory_space<vmem>>
    %dma_wait3A_313 = arith.constant 0 : i32
    %dma_wait3A_314 = tpu.memref_slice %arg4[%add3A_188, %dma_wait3A_313] : memref<8192x1024xf32, #tpu.memory_space<hbm>> -> memref<32x1024xf32, #tpu.memory_space<hbm>>
    %dma_wait3A_315 = arith.constant 0 : i32
    %dma_wait3A_316 = tpu.memref_slice %arg4[%add3A_188, %dma_wait3A_315] : memref<8192x1024xf32, #tpu.memory_space<hbm>> -> memref<32x1024xf32, #tpu.memory_space<hbm>>
    %dma_wait3A_317 = arith.constant 0 : i32
    %dma_wait3A_318 = arith.constant 0 : i32
    %dma_wait3A_319 = tpu.memref_slice %arg6[%dma_wait3A_308, %dma_wait3A_317, %dma_wait3A_318] : memref<3x32x1024xf32, #tpu.memory_space<vmem>> -> memref<1x32x1024xf32, #tpu.memory_space<vmem>>
    %dma_wait3A_320 = tpu.memref_squeeze %dma_wait3A_319 : memref<1x32x1024xf32, #tpu.memory_space<vmem>> -> memref<32x1024xf32, #tpu.memory_space<vmem>>
    tpu.wait_dma2 semaphore(%arg9 : memref<!tpu.dma_semaphore, #tpu.memory_space<semaphore_mem>>) src(%dma_wait3A_320 : memref<32x1024xf32, #tpu.memory_space<vmem>>) dst(%dma_wait3A_316 : memref<32x1024xf32, #tpu.memory_space<hbm>>)
    %dma_wait3A_321 = arith.constant 1 : i32
    %dma_wait3A_322 = arith.constant 0 : i32
    %dma_wait3A_323 = arith.constant 0 : i32
    %dma_wait3A_324 = tpu.memref_slice %arg6[%dma_wait3A_321, %dma_wait3A_322, %dma_wait3A_323] : memref<3x32x1024xf32, #tpu.memory_space<vmem>> -> memref<1x32x1024xf32, #tpu.memory_space<vmem>>
    %dma_wait3A_325 = tpu.memref_squeeze %dma_wait3A_324 : memref<1x32x1024xf32, #tpu.memory_space<vmem>> -> memref<32x1024xf32, #tpu.memory_space<vmem>>
    %dma_wait3A_326 = arith.constant 224 : i32
    %dma_wait3A_327 = tpu.memref_slice %arg5[%dma_wait3A_326] : memref<256xi32, #tpu.memory_space<vmem>> -> memref<32xi32, #tpu.memory_space<vmem>>
    %dma_wait3A_328 = arith.constant 0 : i32
    %dma_wait3A_329 = arith.constant 0 : i32
    %dma_wait3A_330 = tpu.memref_slice %arg2[%dma_wait3A_328, %dma_wait3A_329] : memref<1024x1024xf32, #tpu.memory_space<hbm>> -> memref<1024x1024xf32, #tpu.memory_space<hbm>>
    tpu.wait_indirect_dma semaphore(%arg7 : memref<!tpu.dma_semaphore, #tpu.memory_space<semaphore_mem>>) src(%dma_wait3A_330 : memref<1024x1024xf32, #tpu.memory_space<hbm>>) dst(%dma_wait3A_325 : memref<32x1024xf32, #tpu.memory_space<vmem>>)
    %add3A_331 = arith.constant 224 : i32
    %add3A_332 = arith.addi %mul3A_2, %add3A_331 : i32
    %dma_start3A_333 = arith.constant 1 : i32
    %dma_start3A_334 = arith.constant 0 : i32
    %dma_start3A_335 = arith.constant 0 : i32
    %dma_start3A_336 = tpu.memref_slice %arg6[%dma_start3A_333, %dma_start3A_334, %dma_start3A_335] : memref<3x32x1024xf32, #tpu.memory_space<vmem>> -> memref<1x32x1024xf32, #tpu.memory_space<vmem>>
    %dma_start3A_337 = tpu.memref_squeeze %dma_start3A_336 : memref<1x32x1024xf32, #tpu.memory_space<vmem>> -> memref<32x1024xf32, #tpu.memory_space<vmem>>
    %dma_start3A_338 = arith.constant 0 : i32
    %dma_start3A_339 = tpu.memref_slice %arg4[%add3A_332, %dma_start3A_338] : memref<8192x1024xf32, #tpu.memory_space<hbm>> -> memref<32x1024xf32, #tpu.memory_space<hbm>>
    %dma_start3A_340 = arith.constant 0 : i32
    %dma_start3A_341 = tpu.memref_slice %arg4[%add3A_332, %dma_start3A_340] : memref<8192x1024xf32, #tpu.memory_space<hbm>> -> memref<32x1024xf32, #tpu.memory_space<hbm>>
    %dma_start3A_342 = arith.constant 0 : i32
    %dma_start3A_343 = arith.constant 0 : i32
    %dma_start3A_344 = tpu.memref_slice %arg6[%dma_start3A_333, %dma_start3A_342, %dma_start3A_343] : memref<3x32x1024xf32, #tpu.memory_space<vmem>> -> memref<1x32x1024xf32, #tpu.memory_space<vmem>>
    %dma_start3A_345 = tpu.memref_squeeze %dma_start3A_344 : memref<1x32x1024xf32, #tpu.memory_space<vmem>> -> memref<32x1024xf32, #tpu.memory_space<vmem>>
    tpu.enqueue_dma source(%dma_start3A_345 : memref<32x1024xf32, #tpu.memory_space<vmem>>) target(%dma_start3A_341 : memref<32x1024xf32, #tpu.memory_space<hbm>>) target_semaphore(%arg9 : memref<!tpu.dma_semaphore, #tpu.memory_space<semaphore_mem>>)
    %dma_wait3A_346 = arith.constant 0 : i32
    %dma_wait3A_347 = arith.constant 0 : i32
    %dma_wait3A_348 = arith.constant 0 : i32
    %dma_wait3A_349 = tpu.memref_slice %arg6[%dma_wait3A_346, %dma_wait3A_347, %dma_wait3A_348] : memref<3x32x1024xf32, #tpu.memory_space<vmem>> -> memref<1x32x1024xf32, #tpu.memory_space<vmem>>
    %dma_wait3A_350 = tpu.memref_squeeze %dma_wait3A_349 : memref<1x32x1024xf32, #tpu.memory_space<vmem>> -> memref<32x1024xf32, #tpu.memory_space<vmem>>
    %dma_wait3A_351 = arith.constant 0 : i32
    %dma_wait3A_352 = tpu.memref_slice %arg4[%add3A_284, %dma_wait3A_351] : memref<8192x1024xf32, #tpu.memory_space<hbm>> -> memref<32x1024xf32, #tpu.memory_space<hbm>>
    %dma_wait3A_353 = arith.constant 0 : i32
    %dma_wait3A_354 = tpu.memref_slice %arg4[%add3A_284, %dma_wait3A_353] : memref<8192x1024xf32, #tpu.memory_space<hbm>> -> memref<32x1024xf32, #tpu.memory_space<hbm>>
    %dma_wait3A_355 = arith.constant 0 : i32
    %dma_wait3A_356 = arith.constant 0 : i32
    %dma_wait3A_357 = tpu.memref_slice %arg6[%dma_wait3A_346, %dma_wait3A_355, %dma_wait3A_356] : memref<3x32x1024xf32, #tpu.memory_space<vmem>> -> memref<1x32x1024xf32, #tpu.memory_space<vmem>>
    %dma_wait3A_358 = tpu.memref_squeeze %dma_wait3A_357 : memref<1x32x1024xf32, #tpu.memory_space<vmem>> -> memref<32x1024xf32, #tpu.memory_space<vmem>>
    tpu.wait_dma2 semaphore(%arg8 : memref<!tpu.dma_semaphore, #tpu.memory_space<semaphore_mem>>) src(%dma_wait3A_358 : memref<32x1024xf32, #tpu.memory_space<vmem>>) dst(%dma_wait3A_354 : memref<32x1024xf32, #tpu.memory_space<hbm>>)
    %dma_wait3A_359 = arith.constant 1 : i32
    %dma_wait3A_360 = arith.constant 0 : i32
    %dma_wait3A_361 = arith.constant 0 : i32
    %dma_wait3A_362 = tpu.memref_slice %arg6[%dma_wait3A_359, %dma_wait3A_360, %dma_wait3A_361] : memref<3x32x1024xf32, #tpu.memory_space<vmem>> -> memref<1x32x1024xf32, #tpu.memory_space<vmem>>
    %dma_wait3A_363 = tpu.memref_squeeze %dma_wait3A_362 : memref<1x32x1024xf32, #tpu.memory_space<vmem>> -> memref<32x1024xf32, #tpu.memory_space<vmem>>
    %dma_wait3A_364 = arith.constant 0 : i32
    %dma_wait3A_365 = tpu.memref_slice %arg4[%add3A_332, %dma_wait3A_364] : memref<8192x1024xf32, #tpu.memory_space<hbm>> -> memref<32x1024xf32, #tpu.memory_space<hbm>>
    %dma_wait3A_366 = arith.constant 0 : i32
    %dma_wait3A_367 = tpu.memref_slice %arg4[%add3A_332, %dma_wait3A_366] : memref<8192x1024xf32, #tpu.memory_space<hbm>> -> memref<32x1024xf32, #tpu.memory_space<hbm>>
    %dma_wait3A_368 = arith.constant 0 : i32
    %dma_wait3A_369 = arith.constant 0 : i32
    %dma_wait3A_370 = tpu.memref_slice %arg6[%dma_wait3A_359, %dma_wait3A_368, %dma_wait3A_369] : memref<3x32x1024xf32, #tpu.memory_space<vmem>> -> memref<1x32x1024xf32, #tpu.memory_space<vmem>>
    %dma_wait3A_371 = tpu.memref_squeeze %dma_wait3A_370 : memref<1x32x1024xf32, #tpu.memory_space<vmem>> -> memref<32x1024xf32, #tpu.memory_space<vmem>>
    tpu.wait_dma2 semaphore(%arg9 : memref<!tpu.dma_semaphore, #tpu.memory_space<semaphore_mem>>) src(%dma_wait3A_371 : memref<32x1024xf32, #tpu.memory_space<vmem>>) dst(%dma_wait3A_367 : memref<32x1024xf32, #tpu.memory_space<hbm>>)
    %dma_wait3A_372 = arith.constant 2 : i32
    %dma_wait3A_373 = arith.constant 0 : i32
    %dma_wait3A_374 = arith.constant 0 : i32
    %dma_wait3A_375 = tpu.memref_slice %arg6[%dma_wait3A_372, %dma_wait3A_373, %dma_wait3A_374] : memref<3x32x1024xf32, #tpu.memory_space<vmem>> -> memref<1x32x1024xf32, #tpu.memory_space<vmem>>
    %dma_wait3A_376 = tpu.memref_squeeze %dma_wait3A_375 : memref<1x32x1024xf32, #tpu.memory_space<vmem>> -> memref<32x1024xf32, #tpu.memory_space<vmem>>
    %dma_wait3A_377 = arith.constant 0 : i32
    %dma_wait3A_378 = tpu.memref_slice %arg4[%add3A_236, %dma_wait3A_377] : memref<8192x1024xf32, #tpu.memory_space<hbm>> -> memref<32x1024xf32, #tpu.memory_space<hbm>>
    %dma_wait3A_379 = arith.constant 0 : i32
    %dma_wait3A_380 = tpu.memref_slice %arg4[%add3A_236, %dma_wait3A_379] : memref<8192x1024xf32, #tpu.memory_space<hbm>> -> memref<32x1024xf32, #tpu.memory_space<hbm>>
    %dma_wait3A_381 = arith.constant 0 : i32
    %dma_wait3A_382 = arith.constant 0 : i32
    %dma_wait3A_383 = tpu.memref_slice %arg6[%dma_wait3A_372, %dma_wait3A_381, %dma_wait3A_382] : memref<3x32x1024xf32, #tpu.memory_space<vmem>> -> memref<1x32x1024xf32, #tpu.memory_space<vmem>>
    %dma_wait3A_384 = tpu.memref_squeeze %dma_wait3A_383 : memref<1x32x1024xf32, #tpu.memory_space<vmem>> -> memref<32x1024xf32, #tpu.memory_space<vmem>>
    tpu.wait_dma2 semaphore(%arg10 : memref<!tpu.dma_semaphore, #tpu.memory_space<semaphore_mem>>) src(%dma_wait3A_384 : memref<32x1024xf32, #tpu.memory_space<vmem>>) dst(%dma_wait3A_380 : memref<32x1024xf32, #tpu.memory_space<hbm>>)
    return
  }
}

module attributes {stable_mosaic.version = 14 : i64} {
  func.func @_argmin_body(%arg0: i32, %arg1: memref<2048x1024xf32, #tpu.memory_space<vmem>>, %arg2: memref<1024x1024xf32, #tpu.memory_space<vmem>>, %arg3: memref<1x1024xf32, #tpu.memory_space<vmem>>, %arg4: memref<1x1x2048xi32, #tpu.memory_space<vmem>>) attributes {dimension_semantics = [#tpu.dimension_semantics<arbitrary>], iteration_bounds = array<i64: 4>, scalar_prefetch = 0 : i64, scratch_operands = 0 : i64, tpu.core_type = #tpu.core_type<tc>, window_params = [{transform_indices = @transform_0, window_bounds = array<i64: 2048, 1024>}, {pipeline_mode = #tpu.pipeline_mode<synchronous>, transform_indices = @transform_1, window_bounds = array<i64: 1024, 1024>}, {pipeline_mode = #tpu.pipeline_mode<synchronous>, transform_indices = @transform_2, window_bounds = array<i64: 1, 1024>}, {transform_indices = @transform_3, window_bounds = array<i64: 1, 1, 2048>}]} {
    %get3A = arith.constant 0 : index
    %get3A_0 = arith.constant 0 : index
    %get3A_1 = vector.load %arg2[%get3A, %get3A_0] : memref<1024x1024xf32, #tpu.memory_space<vmem>>, vector<1024x1024xf32>
    %get3A_2 = arith.constant 0 : index
    %get3A_3 = arith.constant 0 : index
    %get3A_4 = vector.load %arg3[%get3A_2, %get3A_3] : memref<1x1024xf32, #tpu.memory_space<vmem>>, vector<1x1024xf32>
    %get3A_5 = arith.constant 0 : index
    %get3A_6 = arith.constant 0 : index
    %get3A_7 = vector.load %arg1[%get3A_5, %get3A_6] : memref<2048x1024xf32, #tpu.memory_space<vmem>>, vector<256x1024xf32>
    %dot_general3A = arith.constant dense<0.000000e+00> : vector<256x1024xf32>
    %dot_general3A_8 = tpu.matmul %get3A_7, %get3A_1, %dot_general3A {dimension_numbers = #tpu.dot_dimension_numbers<[1], [1], [0], [0], [0, 0, 1, 0], [], []>, transpose_lhs_hint = false} : vector<256x1024xf32>, vector<1024x1024xf32>, vector<256x1024xf32> -> vector<256x1024xf32>
    %mul3A = arith.mulf %get3A_7, %get3A_7 : vector<256x1024xf32>
    %reduce_sum3A = arith.constant dense<0.000000e+00> : vector<256xf32>
    %reduce_sum3A_9 = vector.multi_reduction <add>, %mul3A, %reduce_sum3A [1] : vector<256x1024xf32> to vector<256xf32>
    %broadcast_in_dim3A = vector.shape_cast %reduce_sum3A_9 : vector<256xf32> to vector<256x1xf32>
    %add3A = vector.broadcast %broadcast_in_dim3A : vector<256x1xf32> to vector<256x1024xf32>
    %add3A_10 = vector.broadcast %get3A_4 : vector<1x1024xf32> to vector<256x1024xf32>
    %add3A_11 = arith.addf %add3A, %add3A_10 : vector<256x1024xf32>
    %mul3A_12 = arith.constant 2.000000e+00 : f32
    %mul3A_13 = vector.broadcast %mul3A_12 : f32 to vector<256x1024xf32>
    %mul3A_14 = arith.mulf %mul3A_13, %dot_general3A_8 : vector<256x1024xf32>
    %sub3A = arith.subf %add3A_11, %mul3A_14 : vector<256x1024xf32>
    %reduce_min3A = arith.constant dense<0x7F800000> : vector<256xf32>
    %reduce_min3A_15 = vector.multi_reduction <minimumf>, %sub3A, %reduce_min3A [1] : vector<256x1024xf32> to vector<256xf32>
    %broadcast_in_dim3A_16 = vector.shape_cast %reduce_min3A_15 : vector<256xf32> to vector<256x1xf32>
    %iota3A = tpu.iota {dimensions = array<i32: 1>} : vector<256x1024xi32>
    %eq3A = vector.broadcast %broadcast_in_dim3A_16 : vector<256x1xf32> to vector<256x1024xf32>
    %eq3A_17 = arith.cmpf oeq, %sub3A, %eq3A : vector<256x1024xf32>
    %jit3A = arith.constant 1024 : i32
    %broadcast_in_dim3A_18 = vector.broadcast %jit3A : i32 to vector<256x1024xi32>
    %select_n3A = arith.select %eq3A_17, %iota3A, %broadcast_in_dim3A_18 : vector<256x1024xi1>, vector<256x1024xi32>
    %reduce_min3A_19 = arith.constant dense<2147483647> : vector<256xi32>
    %reduce_min3A_20 = vector.multi_reduction <minsi>, %select_n3A, %reduce_min3A_19 [1] : vector<256x1024xi32> to vector<256xi32>
    %swap3A = arith.constant 0 : index
    %swap3A_21 = arith.constant 0 : index
    %swap3A_22 = arith.constant 0 : index
    %swap3A_23 = vector.load %arg4[%swap3A, %swap3A_21, %swap3A_22] : memref<1x1x2048xi32, #tpu.memory_space<vmem>>, vector<1x1x256xi32>
    %swap3A_24 = vector.shape_cast %swap3A_23 : vector<1x1x256xi32> to vector<256xi32>
    %swap3A_25 = vector.shape_cast %reduce_min3A_20 : vector<256xi32> to vector<1x1x256xi32>
    tpu.vector_store %arg4[%swap3A, %swap3A_21, %swap3A_22], %swap3A_25 {strides = array<i32>} : memref<1x1x2048xi32, #tpu.memory_space<vmem>>, vector<1x1x256xi32>,
    %get3A_26 = arith.constant 256 : index
    %get3A_27 = arith.constant 0 : index
    %get3A_28 = vector.load %arg1[%get3A_26, %get3A_27] : memref<2048x1024xf32, #tpu.memory_space<vmem>>, vector<256x1024xf32>
    %dot_general3A_29 = arith.constant dense<0.000000e+00> : vector<256x1024xf32>
    %dot_general3A_30 = tpu.matmul %get3A_28, %get3A_1, %dot_general3A_29 {dimension_numbers = #tpu.dot_dimension_numbers<[1], [1], [0], [0], [0, 0, 1, 0], [], []>, transpose_lhs_hint = false} : vector<256x1024xf32>, vector<1024x1024xf32>, vector<256x1024xf32> -> vector<256x1024xf32>
    %mul3A_31 = arith.mulf %get3A_28, %get3A_28 : vector<256x1024xf32>
    %reduce_sum3A_32 = arith.constant dense<0.000000e+00> : vector<256xf32>
    %reduce_sum3A_33 = vector.multi_reduction <add>, %mul3A_31, %reduce_sum3A_32 [1] : vector<256x1024xf32> to vector<256xf32>
    %broadcast_in_dim3A_34 = vector.shape_cast %reduce_sum3A_33 : vector<256xf32> to vector<256x1xf32>
    %add3A_35 = vector.broadcast %broadcast_in_dim3A_34 : vector<256x1xf32> to vector<256x1024xf32>
    %add3A_36 = vector.broadcast %get3A_4 : vector<1x1024xf32> to vector<256x1024xf32>
    %add3A_37 = arith.addf %add3A_35, %add3A_36 : vector<256x1024xf32>
    %mul3A_38 = arith.constant 2.000000e+00 : f32
    %mul3A_39 = vector.broadcast %mul3A_38 : f32 to vector<256x1024xf32>
    %mul3A_40 = arith.mulf %mul3A_39, %dot_general3A_30 : vector<256x1024xf32>
    %sub3A_41 = arith.subf %add3A_37, %mul3A_40 : vector<256x1024xf32>
    %reduce_min3A_42 = arith.constant dense<0x7F800000> : vector<256xf32>
    %reduce_min3A_43 = vector.multi_reduction <minimumf>, %sub3A_41, %reduce_min3A_42 [1] : vector<256x1024xf32> to vector<256xf32>
    %broadcast_in_dim3A_44 = vector.shape_cast %reduce_min3A_43 : vector<256xf32> to vector<256x1xf32>
    %iota3A_45 = tpu.iota {dimensions = array<i32: 1>} : vector<256x1024xi32>
    %eq3A_46 = vector.broadcast %broadcast_in_dim3A_44 : vector<256x1xf32> to vector<256x1024xf32>
    %eq3A_47 = arith.cmpf oeq, %sub3A_41, %eq3A_46 : vector<256x1024xf32>
    %jit3A_48 = arith.constant 1024 : i32
    %broadcast_in_dim3A_49 = vector.broadcast %jit3A_48 : i32 to vector<256x1024xi32>
    %select_n3A_50 = arith.select %eq3A_47, %iota3A_45, %broadcast_in_dim3A_49 : vector<256x1024xi1>, vector<256x1024xi32>
    %reduce_min3A_51 = arith.constant dense<2147483647> : vector<256xi32>
    %reduce_min3A_52 = vector.multi_reduction <minsi>, %select_n3A_50, %reduce_min3A_51 [1] : vector<256x1024xi32> to vector<256xi32>
    %swap3A_53 = arith.constant 0 : index
    %swap3A_54 = arith.constant 0 : index
    %swap3A_55 = arith.constant 256 : index
    %swap3A_56 = vector.load %arg4[%swap3A_53, %swap3A_54, %swap3A_55] : memref<1x1x2048xi32, #tpu.memory_space<vmem>>, vector<1x1x256xi32>
    %swap3A_57 = vector.shape_cast %swap3A_56 : vector<1x1x256xi32> to vector<256xi32>
    %swap3A_58 = vector.shape_cast %reduce_min3A_52 : vector<256xi32> to vector<1x1x256xi32>
    tpu.vector_store %arg4[%swap3A_53, %swap3A_54, %swap3A_55], %swap3A_58 {strides = array<i32>} : memref<1x1x2048xi32, #tpu.memory_space<vmem>>, vector<1x1x256xi32>,
    %get3A_59 = arith.constant 512 : index
    %get3A_60 = arith.constant 0 : index
    %get3A_61 = vector.load %arg1[%get3A_59, %get3A_60] : memref<2048x1024xf32, #tpu.memory_space<vmem>>, vector<256x1024xf32>
    %dot_general3A_62 = arith.constant dense<0.000000e+00> : vector<256x1024xf32>
    %dot_general3A_63 = tpu.matmul %get3A_61, %get3A_1, %dot_general3A_62 {dimension_numbers = #tpu.dot_dimension_numbers<[1], [1], [0], [0], [0, 0, 1, 0], [], []>, transpose_lhs_hint = false} : vector<256x1024xf32>, vector<1024x1024xf32>, vector<256x1024xf32> -> vector<256x1024xf32>
    %mul3A_64 = arith.mulf %get3A_61, %get3A_61 : vector<256x1024xf32>
    %reduce_sum3A_65 = arith.constant dense<0.000000e+00> : vector<256xf32>
    %reduce_sum3A_66 = vector.multi_reduction <add>, %mul3A_64, %reduce_sum3A_65 [1] : vector<256x1024xf32> to vector<256xf32>
    %broadcast_in_dim3A_67 = vector.shape_cast %reduce_sum3A_66 : vector<256xf32> to vector<256x1xf32>
    %add3A_68 = vector.broadcast %broadcast_in_dim3A_67 : vector<256x1xf32> to vector<256x1024xf32>
    %add3A_69 = vector.broadcast %get3A_4 : vector<1x1024xf32> to vector<256x1024xf32>
    %add3A_70 = arith.addf %add3A_68, %add3A_69 : vector<256x1024xf32>
    %mul3A_71 = arith.constant 2.000000e+00 : f32
    %mul3A_72 = vector.broadcast %mul3A_71 : f32 to vector<256x1024xf32>
    %mul3A_73 = arith.mulf %mul3A_72, %dot_general3A_63 : vector<256x1024xf32>
    %sub3A_74 = arith.subf %add3A_70, %mul3A_73 : vector<256x1024xf32>
    %reduce_min3A_75 = arith.constant dense<0x7F800000> : vector<256xf32>
    %reduce_min3A_76 = vector.multi_reduction <minimumf>, %sub3A_74, %reduce_min3A_75 [1] : vector<256x1024xf32> to vector<256xf32>
    %broadcast_in_dim3A_77 = vector.shape_cast %reduce_min3A_76 : vector<256xf32> to vector<256x1xf32>
    %iota3A_78 = tpu.iota {dimensions = array<i32: 1>} : vector<256x1024xi32>
    %eq3A_79 = vector.broadcast %broadcast_in_dim3A_77 : vector<256x1xf32> to vector<256x1024xf32>
    %eq3A_80 = arith.cmpf oeq, %sub3A_74, %eq3A_79 : vector<256x1024xf32>
    %jit3A_81 = arith.constant 1024 : i32
    %broadcast_in_dim3A_82 = vector.broadcast %jit3A_81 : i32 to vector<256x1024xi32>
    %select_n3A_83 = arith.select %eq3A_80, %iota3A_78, %broadcast_in_dim3A_82 : vector<256x1024xi1>, vector<256x1024xi32>
    %reduce_min3A_84 = arith.constant dense<2147483647> : vector<256xi32>
    %reduce_min3A_85 = vector.multi_reduction <minsi>, %select_n3A_83, %reduce_min3A_84 [1] : vector<256x1024xi32> to vector<256xi32>
    %swap3A_86 = arith.constant 0 : index
    %swap3A_87 = arith.constant 0 : index
    %swap3A_88 = arith.constant 512 : index
    %swap3A_89 = vector.load %arg4[%swap3A_86, %swap3A_87, %swap3A_88] : memref<1x1x2048xi32, #tpu.memory_space<vmem>>, vector<1x1x256xi32>
    %swap3A_90 = vector.shape_cast %swap3A_89 : vector<1x1x256xi32> to vector<256xi32>
    %swap3A_91 = vector.shape_cast %reduce_min3A_85 : vector<256xi32> to vector<1x1x256xi32>
    tpu.vector_store %arg4[%swap3A_86, %swap3A_87, %swap3A_88], %swap3A_91 {strides = array<i32>} : memref<1x1x2048xi32, #tpu.memory_space<vmem>>, vector<1x1x256xi32>,
    %get3A_92 = arith.constant 768 : index
    %get3A_93 = arith.constant 0 : index
    %get3A_94 = vector.load %arg1[%get3A_92, %get3A_93] : memref<2048x1024xf32, #tpu.memory_space<vmem>>, vector<256x1024xf32>
    %dot_general3A_95 = arith.constant dense<0.000000e+00> : vector<256x1024xf32>
    %dot_general3A_96 = tpu.matmul %get3A_94, %get3A_1, %dot_general3A_95 {dimension_numbers = #tpu.dot_dimension_numbers<[1], [1], [0], [0], [0, 0, 1, 0], [], []>, transpose_lhs_hint = false} : vector<256x1024xf32>, vector<1024x1024xf32>, vector<256x1024xf32> -> vector<256x1024xf32>
    %mul3A_97 = arith.mulf %get3A_94, %get3A_94 : vector<256x1024xf32>
    %reduce_sum3A_98 = arith.constant dense<0.000000e+00> : vector<256xf32>
    %reduce_sum3A_99 = vector.multi_reduction <add>, %mul3A_97, %reduce_sum3A_98 [1] : vector<256x1024xf32> to vector<256xf32>
    %broadcast_in_dim3A_100 = vector.shape_cast %reduce_sum3A_99 : vector<256xf32> to vector<256x1xf32>
    %add3A_101 = vector.broadcast %broadcast_in_dim3A_100 : vector<256x1xf32> to vector<256x1024xf32>
    %add3A_102 = vector.broadcast %get3A_4 : vector<1x1024xf32> to vector<256x1024xf32>
    %add3A_103 = arith.addf %add3A_101, %add3A_102 : vector<256x1024xf32>
    %mul3A_104 = arith.constant 2.000000e+00 : f32
    %mul3A_105 = vector.broadcast %mul3A_104 : f32 to vector<256x1024xf32>
    %mul3A_106 = arith.mulf %mul3A_105, %dot_general3A_96 : vector<256x1024xf32>
    %sub3A_107 = arith.subf %add3A_103, %mul3A_106 : vector<256x1024xf32>
    %reduce_min3A_108 = arith.constant dense<0x7F800000> : vector<256xf32>
    %reduce_min3A_109 = vector.multi_reduction <minimumf>, %sub3A_107, %reduce_min3A_108 [1] : vector<256x1024xf32> to vector<256xf32>
    %broadcast_in_dim3A_110 = vector.shape_cast %reduce_min3A_109 : vector<256xf32> to vector<256x1xf32>
    %iota3A_111 = tpu.iota {dimensions = array<i32: 1>} : vector<256x1024xi32>
    %eq3A_112 = vector.broadcast %broadcast_in_dim3A_110 : vector<256x1xf32> to vector<256x1024xf32>
    %eq3A_113 = arith.cmpf oeq, %sub3A_107, %eq3A_112 : vector<256x1024xf32>
    %jit3A_114 = arith.constant 1024 : i32
    %broadcast_in_dim3A_115 = vector.broadcast %jit3A_114 : i32 to vector<256x1024xi32>
    %select_n3A_116 = arith.select %eq3A_113, %iota3A_111, %broadcast_in_dim3A_115 : vector<256x1024xi1>, vector<256x1024xi32>
    %reduce_min3A_117 = arith.constant dense<2147483647> : vector<256xi32>
    %reduce_min3A_118 = vector.multi_reduction <minsi>, %select_n3A_116, %reduce_min3A_117 [1] : vector<256x1024xi32> to vector<256xi32>
    %swap3A_119 = arith.constant 0 : index
    %swap3A_120 = arith.constant 0 : index
    %swap3A_121 = arith.constant 768 : index
    %swap3A_122 = vector.load %arg4[%swap3A_119, %swap3A_120, %swap3A_121] : memref<1x1x2048xi32, #tpu.memory_space<vmem>>, vector<1x1x256xi32>
    %swap3A_123 = vector.shape_cast %swap3A_122 : vector<1x1x256xi32> to vector<256xi32>
    %swap3A_124 = vector.shape_cast %reduce_min3A_118 : vector<256xi32> to vector<1x1x256xi32>
    tpu.vector_store %arg4[%swap3A_119, %swap3A_120, %swap3A_121], %swap3A_124 {strides = array<i32>} : memref<1x1x2048xi32, #tpu.memory_space<vmem>>, vector<1x1x256xi32>,
    %get3A_125 = arith.constant 1024 : index
    %get3A_126 = arith.constant 0 : index
    %get3A_127 = vector.load %arg1[%get3A_125, %get3A_126] : memref<2048x1024xf32, #tpu.memory_space<vmem>>, vector<256x1024xf32>
    %dot_general3A_128 = arith.constant dense<0.000000e+00> : vector<256x1024xf32>
    %dot_general3A_129 = tpu.matmul %get3A_127, %get3A_1, %dot_general3A_128 {dimension_numbers = #tpu.dot_dimension_numbers<[1], [1], [0], [0], [0, 0, 1, 0], [], []>, transpose_lhs_hint = false} : vector<256x1024xf32>, vector<1024x1024xf32>, vector<256x1024xf32> -> vector<256x1024xf32>
    %mul3A_130 = arith.mulf %get3A_127, %get3A_127 : vector<256x1024xf32>
    %reduce_sum3A_131 = arith.constant dense<0.000000e+00> : vector<256xf32>
    %reduce_sum3A_132 = vector.multi_reduction <add>, %mul3A_130, %reduce_sum3A_131 [1] : vector<256x1024xf32> to vector<256xf32>
    %broadcast_in_dim3A_133 = vector.shape_cast %reduce_sum3A_132 : vector<256xf32> to vector<256x1xf32>
    %add3A_134 = vector.broadcast %broadcast_in_dim3A_133 : vector<256x1xf32> to vector<256x1024xf32>
    %add3A_135 = vector.broadcast %get3A_4 : vector<1x1024xf32> to vector<256x1024xf32>
    %add3A_136 = arith.addf %add3A_134, %add3A_135 : vector<256x1024xf32>
    %mul3A_137 = arith.constant 2.000000e+00 : f32
    %mul3A_138 = vector.broadcast %mul3A_137 : f32 to vector<256x1024xf32>
    %mul3A_139 = arith.mulf %mul3A_138, %dot_general3A_129 : vector<256x1024xf32>
    %sub3A_140 = arith.subf %add3A_136, %mul3A_139 : vector<256x1024xf32>
    %reduce_min3A_141 = arith.constant dense<0x7F800000> : vector<256xf32>
    %reduce_min3A_142 = vector.multi_reduction <minimumf>, %sub3A_140, %reduce_min3A_141 [1] : vector<256x1024xf32> to vector<256xf32>
    %broadcast_in_dim3A_143 = vector.shape_cast %reduce_min3A_142 : vector<256xf32> to vector<256x1xf32>
    %iota3A_144 = tpu.iota {dimensions = array<i32: 1>} : vector<256x1024xi32>
    %eq3A_145 = vector.broadcast %broadcast_in_dim3A_143 : vector<256x1xf32> to vector<256x1024xf32>
    %eq3A_146 = arith.cmpf oeq, %sub3A_140, %eq3A_145 : vector<256x1024xf32>
    %jit3A_147 = arith.constant 1024 : i32
    %broadcast_in_dim3A_148 = vector.broadcast %jit3A_147 : i32 to vector<256x1024xi32>
    %select_n3A_149 = arith.select %eq3A_146, %iota3A_144, %broadcast_in_dim3A_148 : vector<256x1024xi1>, vector<256x1024xi32>
    %reduce_min3A_150 = arith.constant dense<2147483647> : vector<256xi32>
    %reduce_min3A_151 = vector.multi_reduction <minsi>, %select_n3A_149, %reduce_min3A_150 [1] : vector<256x1024xi32> to vector<256xi32>
    %swap3A_152 = arith.constant 0 : index
    %swap3A_153 = arith.constant 0 : index
    %swap3A_154 = arith.constant 1024 : index
    %swap3A_155 = vector.load %arg4[%swap3A_152, %swap3A_153, %swap3A_154] : memref<1x1x2048xi32, #tpu.memory_space<vmem>>, vector<1x1x256xi32>
    %swap3A_156 = vector.shape_cast %swap3A_155 : vector<1x1x256xi32> to vector<256xi32>
    %swap3A_157 = vector.shape_cast %reduce_min3A_151 : vector<256xi32> to vector<1x1x256xi32>
    tpu.vector_store %arg4[%swap3A_152, %swap3A_153, %swap3A_154], %swap3A_157 {strides = array<i32>} : memref<1x1x2048xi32, #tpu.memory_space<vmem>>, vector<1x1x256xi32>,
    %get3A_158 = arith.constant 1280 : index
    %get3A_159 = arith.constant 0 : index
    %get3A_160 = vector.load %arg1[%get3A_158, %get3A_159] : memref<2048x1024xf32, #tpu.memory_space<vmem>>, vector<256x1024xf32>
    %dot_general3A_161 = arith.constant dense<0.000000e+00> : vector<256x1024xf32>
    %dot_general3A_162 = tpu.matmul %get3A_160, %get3A_1, %dot_general3A_161 {dimension_numbers = #tpu.dot_dimension_numbers<[1], [1], [0], [0], [0, 0, 1, 0], [], []>, transpose_lhs_hint = false} : vector<256x1024xf32>, vector<1024x1024xf32>, vector<256x1024xf32> -> vector<256x1024xf32>
    %mul3A_163 = arith.mulf %get3A_160, %get3A_160 : vector<256x1024xf32>
    %reduce_sum3A_164 = arith.constant dense<0.000000e+00> : vector<256xf32>
    %reduce_sum3A_165 = vector.multi_reduction <add>, %mul3A_163, %reduce_sum3A_164 [1] : vector<256x1024xf32> to vector<256xf32>
    %broadcast_in_dim3A_166 = vector.shape_cast %reduce_sum3A_165 : vector<256xf32> to vector<256x1xf32>
    %add3A_167 = vector.broadcast %broadcast_in_dim3A_166 : vector<256x1xf32> to vector<256x1024xf32>
    %add3A_168 = vector.broadcast %get3A_4 : vector<1x1024xf32> to vector<256x1024xf32>
    %add3A_169 = arith.addf %add3A_167, %add3A_168 : vector<256x1024xf32>
    %mul3A_170 = arith.constant 2.000000e+00 : f32
    %mul3A_171 = vector.broadcast %mul3A_170 : f32 to vector<256x1024xf32>
    %mul3A_172 = arith.mulf %mul3A_171, %dot_general3A_162 : vector<256x1024xf32>
    %sub3A_173 = arith.subf %add3A_169, %mul3A_172 : vector<256x1024xf32>
    %reduce_min3A_174 = arith.constant dense<0x7F800000> : vector<256xf32>
    %reduce_min3A_175 = vector.multi_reduction <minimumf>, %sub3A_173, %reduce_min3A_174 [1] : vector<256x1024xf32> to vector<256xf32>
    %broadcast_in_dim3A_176 = vector.shape_cast %reduce_min3A_175 : vector<256xf32> to vector<256x1xf32>
    %iota3A_177 = tpu.iota {dimensions = array<i32: 1>} : vector<256x1024xi32>
    %eq3A_178 = vector.broadcast %broadcast_in_dim3A_176 : vector<256x1xf32> to vector<256x1024xf32>
    %eq3A_179 = arith.cmpf oeq, %sub3A_173, %eq3A_178 : vector<256x1024xf32>
    %jit3A_180 = arith.constant 1024 : i32
    %broadcast_in_dim3A_181 = vector.broadcast %jit3A_180 : i32 to vector<256x1024xi32>
    %select_n3A_182 = arith.select %eq3A_179, %iota3A_177, %broadcast_in_dim3A_181 : vector<256x1024xi1>, vector<256x1024xi32>
    %reduce_min3A_183 = arith.constant dense<2147483647> : vector<256xi32>
    %reduce_min3A_184 = vector.multi_reduction <minsi>, %select_n3A_182, %reduce_min3A_183 [1] : vector<256x1024xi32> to vector<256xi32>
    %swap3A_185 = arith.constant 0 : index
    %swap3A_186 = arith.constant 0 : index
    %swap3A_187 = arith.constant 1280 : index
    %swap3A_188 = vector.load %arg4[%swap3A_185, %swap3A_186, %swap3A_187] : memref<1x1x2048xi32, #tpu.memory_space<vmem>>, vector<1x1x256xi32>
    %swap3A_189 = vector.shape_cast %swap3A_188 : vector<1x1x256xi32> to vector<256xi32>
    %swap3A_190 = vector.shape_cast %reduce_min3A_184 : vector<256xi32> to vector<1x1x256xi32>
    tpu.vector_store %arg4[%swap3A_185, %swap3A_186, %swap3A_187], %swap3A_190 {strides = array<i32>} : memref<1x1x2048xi32, #tpu.memory_space<vmem>>, vector<1x1x256xi32>,
    %get3A_191 = arith.constant 1536 : index
    %get3A_192 = arith.constant 0 : index
    %get3A_193 = vector.load %arg1[%get3A_191, %get3A_192] : memref<2048x1024xf32, #tpu.memory_space<vmem>>, vector<256x1024xf32>
    %dot_general3A_194 = arith.constant dense<0.000000e+00> : vector<256x1024xf32>
    %dot_general3A_195 = tpu.matmul %get3A_193, %get3A_1, %dot_general3A_194 {dimension_numbers = #tpu.dot_dimension_numbers<[1], [1], [0], [0], [0, 0, 1, 0], [], []>, transpose_lhs_hint = false} : vector<256x1024xf32>, vector<1024x1024xf32>, vector<256x1024xf32> -> vector<256x1024xf32>
    %mul3A_196 = arith.mulf %get3A_193, %get3A_193 : vector<256x1024xf32>
    %reduce_sum3A_197 = arith.constant dense<0.000000e+00> : vector<256xf32>
    %reduce_sum3A_198 = vector.multi_reduction <add>, %mul3A_196, %reduce_sum3A_197 [1] : vector<256x1024xf32> to vector<256xf32>
    %broadcast_in_dim3A_199 = vector.shape_cast %reduce_sum3A_198 : vector<256xf32> to vector<256x1xf32>
    %add3A_200 = vector.broadcast %broadcast_in_dim3A_199 : vector<256x1xf32> to vector<256x1024xf32>
    %add3A_201 = vector.broadcast %get3A_4 : vector<1x1024xf32> to vector<256x1024xf32>
    %add3A_202 = arith.addf %add3A_200, %add3A_201 : vector<256x1024xf32>
    %mul3A_203 = arith.constant 2.000000e+00 : f32
    %mul3A_204 = vector.broadcast %mul3A_203 : f32 to vector<256x1024xf32>
    %mul3A_205 = arith.mulf %mul3A_204, %dot_general3A_195 : vector<256x1024xf32>
    %sub3A_206 = arith.subf %add3A_202, %mul3A_205 : vector<256x1024xf32>
    %reduce_min3A_207 = arith.constant dense<0x7F800000> : vector<256xf32>
    %reduce_min3A_208 = vector.multi_reduction <minimumf>, %sub3A_206, %reduce_min3A_207 [1] : vector<256x1024xf32> to vector<256xf32>
    %broadcast_in_dim3A_209 = vector.shape_cast %reduce_min3A_208 : vector<256xf32> to vector<256x1xf32>
    %iota3A_210 = tpu.iota {dimensions = array<i32: 1>} : vector<256x1024xi32>
    %eq3A_211 = vector.broadcast %broadcast_in_dim3A_209 : vector<256x1xf32> to vector<256x1024xf32>
    %eq3A_212 = arith.cmpf oeq, %sub3A_206, %eq3A_211 : vector<256x1024xf32>
    %jit3A_213 = arith.constant 1024 : i32
    %broadcast_in_dim3A_214 = vector.broadcast %jit3A_213 : i32 to vector<256x1024xi32>
    %select_n3A_215 = arith.select %eq3A_212, %iota3A_210, %broadcast_in_dim3A_214 : vector<256x1024xi1>, vector<256x1024xi32>
    %reduce_min3A_216 = arith.constant dense<2147483647> : vector<256xi32>
    %reduce_min3A_217 = vector.multi_reduction <minsi>, %select_n3A_215, %reduce_min3A_216 [1] : vector<256x1024xi32> to vector<256xi32>
    %swap3A_218 = arith.constant 0 : index
    %swap3A_219 = arith.constant 0 : index
    %swap3A_220 = arith.constant 1536 : index
    %swap3A_221 = vector.load %arg4[%swap3A_218, %swap3A_219, %swap3A_220] : memref<1x1x2048xi32, #tpu.memory_space<vmem>>, vector<1x1x256xi32>
    %swap3A_222 = vector.shape_cast %swap3A_221 : vector<1x1x256xi32> to vector<256xi32>
    %swap3A_223 = vector.shape_cast %reduce_min3A_217 : vector<256xi32> to vector<1x1x256xi32>
    tpu.vector_store %arg4[%swap3A_218, %swap3A_219, %swap3A_220], %swap3A_223 {strides = array<i32>} : memref<1x1x2048xi32, #tpu.memory_space<vmem>>, vector<1x1x256xi32>,
    %get3A_224 = arith.constant 1792 : index
    %get3A_225 = arith.constant 0 : index
    %get3A_226 = vector.load %arg1[%get3A_224, %get3A_225] : memref<2048x1024xf32, #tpu.memory_space<vmem>>, vector<256x1024xf32>
    %dot_general3A_227 = arith.constant dense<0.000000e+00> : vector<256x1024xf32>
    %dot_general3A_228 = tpu.matmul %get3A_226, %get3A_1, %dot_general3A_227 {dimension_numbers = #tpu.dot_dimension_numbers<[1], [1], [0], [0], [0, 0, 1, 0], [], []>, transpose_lhs_hint = false} : vector<256x1024xf32>, vector<1024x1024xf32>, vector<256x1024xf32> -> vector<256x1024xf32>
    %mul3A_229 = arith.mulf %get3A_226, %get3A_226 : vector<256x1024xf32>
    %reduce_sum3A_230 = arith.constant dense<0.000000e+00> : vector<256xf32>
    %reduce_sum3A_231 = vector.multi_reduction <add>, %mul3A_229, %reduce_sum3A_230 [1] : vector<256x1024xf32> to vector<256xf32>
    %broadcast_in_dim3A_232 = vector.shape_cast %reduce_sum3A_231 : vector<256xf32> to vector<256x1xf32>
    %add3A_233 = vector.broadcast %broadcast_in_dim3A_232 : vector<256x1xf32> to vector<256x1024xf32>
    %add3A_234 = vector.broadcast %get3A_4 : vector<1x1024xf32> to vector<256x1024xf32>
    %add3A_235 = arith.addf %add3A_233, %add3A_234 : vector<256x1024xf32>
    %mul3A_236 = arith.constant 2.000000e+00 : f32
    %mul3A_237 = vector.broadcast %mul3A_236 : f32 to vector<256x1024xf32>
    %mul3A_238 = arith.mulf %mul3A_237, %dot_general3A_228 : vector<256x1024xf32>
    %sub3A_239 = arith.subf %add3A_235, %mul3A_238 : vector<256x1024xf32>
    %reduce_min3A_240 = arith.constant dense<0x7F800000> : vector<256xf32>
    %reduce_min3A_241 = vector.multi_reduction <minimumf>, %sub3A_239, %reduce_min3A_240 [1] : vector<256x1024xf32> to vector<256xf32>
    %broadcast_in_dim3A_242 = vector.shape_cast %reduce_min3A_241 : vector<256xf32> to vector<256x1xf32>
    %iota3A_243 = tpu.iota {dimensions = array<i32: 1>} : vector<256x1024xi32>
    %eq3A_244 = vector.broadcast %broadcast_in_dim3A_242 : vector<256x1xf32> to vector<256x1024xf32>
    %eq3A_245 = arith.cmpf oeq, %sub3A_239, %eq3A_244 : vector<256x1024xf32>
    %jit3A_246 = arith.constant 1024 : i32
    %broadcast_in_dim3A_247 = vector.broadcast %jit3A_246 : i32 to vector<256x1024xi32>
    %select_n3A_248 = arith.select %eq3A_245, %iota3A_243, %broadcast_in_dim3A_247 : vector<256x1024xi1>, vector<256x1024xi32>
    %reduce_min3A_249 = arith.constant dense<2147483647> : vector<256xi32>
    %reduce_min3A_250 = vector.multi_reduction <minsi>, %select_n3A_248, %reduce_min3A_249 [1] : vector<256x1024xi32> to vector<256xi32>
    %swap3A_251 = arith.constant 0 : index
    %swap3A_252 = arith.constant 0 : index
    %swap3A_253 = arith.constant 1792 : index
    %swap3A_254 = vector.load %arg4[%swap3A_251, %swap3A_252, %swap3A_253] : memref<1x1x2048xi32, #tpu.memory_space<vmem>>, vector<1x1x256xi32>
    %swap3A_255 = vector.shape_cast %swap3A_254 : vector<1x1x256xi32> to vector<256xi32>
    %swap3A_256 = vector.shape_cast %reduce_min3A_250 : vector<256xi32> to vector<1x1x256xi32>
    tpu.vector_store %arg4[%swap3A_251, %swap3A_252, %swap3A_253], %swap3A_256 {strides = array<i32>} : memref<1x1x2048xi32, #tpu.memory_space<vmem>>, vector<1x1x256xi32>,
    return
  }
  func.func @transform_0(%arg0: i32) -> (i32, i32) {
    %c0_i32 = arith.constant 0 : i32
    %c0_i32_0 = arith.constant 0 : i32
    return %arg0, %c0_i32 : i32, i32
  }
  func.func @transform_1(%arg0: i32) -> (i32, i32) {
    %c0_i32 = arith.constant 0 : i32
    %c0_i32_0 = arith.constant 0 : i32
    %c0_i32_1 = arith.constant 0 : i32
    return %c0_i32, %c0_i32_0 : i32, i32
  }
  func.func @transform_2(%arg0: i32) -> (i32, i32) {
    %c0_i32 = arith.constant 0 : i32
    %c0_i32_0 = arith.constant 0 : i32
    %c0_i32_1 = arith.constant 0 : i32
    return %c0_i32, %c0_i32_0 : i32, i32
  }
  func.func @transform_3(%arg0: i32) -> (i32, i32, i32) {
    %c0_i32 = arith.constant 0 : i32
    %c0_i32_0 = arith.constant 0 : i32
    %c0_i32_1 = arith.constant 0 : i32
    return %arg0, %c0_i32, %c0_i32_0 : i32, i32, i32
  }
}

</mosaic_0001>

<sc_bundles>
// kernel: kernel.4.cloned.1.call-start
scs
__scs_entry_jumppad:
0x0: {  	(pc) =	sbr.rel $0x88, $3  }
0x1: {  	(tag) =	ssettag $0x0;
	lr =	simm.s32 $0x1  }
0x2: {  	[smem:$0x3F9F] =	sst lr;
	_ =	strace $0xD0000000  }
0x3: {  	_ = 	snop  }
0x4: {  	_ = 	snop  }
0x5: {  	_ = 	snop  }
0x6: {  	_ = 	snop  }
0x7: {  	_ = 	snop  }
__scs_overlays_trampoline_lowered:
0x8: {  	[smem:$0x3FAE] =	sst s0  }
0x9: {  	[smem:$0x3FAF] =	sst s1  }
0xa: {  	[smem:$0x3FB0] =	sst s2  }
0xb: {  	[smem:$0x3FB1] =	sst s3  }
0xc: {  	[smem:$0x3FB2] =	sst s4  }
0xd: {  	[smem:$0x3FB3] =	sst s5  }
0xe: {  	[smem:$0x3FB4] =	sst s6  }
0xf: {  	[smem:$0x3FB5] =	sst s7  }
0x10: {  	[smem:$0x3FB6] =	sst s8  }
0x11: {  	[smem:$0x3FB7] =	sst s9;
	s0 =	simm.s32 @!p0 $0x0  }
0x12: {  	s1 =	sld [smem:$0x3F9D];
	s0 =	simm.s32 @p0 $0x1  }
0x13: {  	[smem:$0x3FB8] =	sst s0;
	s0 =	simm.s32 @!p1 $0x0  }
0x14: {  	s2 =	sld [smem:$0x3F9C];
	s0 =	simm.s32 @p1 $0x1  }
0x15: {  	[smem:$0x3FB9] =	sst s0;
	s0 =	simm.s32 @!p2 $0x0  }
0x16: {  	s3 =	sld [smem:$0x3FDB];
	s0 =	simm.s32 @p2 $0x1  }
0x17: {  	s4 =	simm.s32 $0x1BF5;
	[smem:$0x3FBB] =	sst s0  }
0x18: {  	s0 =	sld [smem:$0x3F9E];
	_ =	swait.ge [sflag:s4], $0x0  }
0x19: {  	s7 =	sld [smem:$0x3F9F]  }
0x1a: {  	s8 =	sadd.s32 $0xFFFFE003, lr  }
0x1b: {  	s9 =	sadd.s32 $0xFFFFFEF7, lr;
	s5 =	simm.s32 $0xFFFFFFFF;
	p2 =	slt.u32 s8, $0xFFFFF086  }
0x1c: {  	p1 =	slt.u32 s9, $0xF7A;
	s5 =	simm.s32 @!p2 $0x0  }
0x1d: {  	s5 =	simm.s32 @p1 $0x1;
	p0 =	seq.s32 s7, s2  }
0x1e: {  	s7 =	smul.u32 @!p0 $0xF7A, s2;
	p2 =	seq.s32 @!p0 s5, $0x0  }
0x1f: {  	s9 =	smul.u32 $0xF7A, s1;
	s8 =	simm.s32 @!p0 $0x1BF5;
	p2 =	por !p2, p0  }
0x20: {  	[sflag:s8] =	ssyncset.s32 @!p0 $0xFFFFF086;
	s6 =	sadd.s32 @!p0 s3, s7;
	s7 =	simm.s32 @!p0 $0x108  }
0x21: {  	s3 =	sadd.s32 s3, s9;
	s6 =	sadd.s32 @!p0 $0x88, s6;
	s7 =	simm.s32 @p2 $0x1082  }
0x22: {  	[simem:s7], [sflag:s8] =	dma.local @!p0 [hbm:s6], $0xF7A  }
0x23: {  	s9 =	sor.u32 $0xD0000000, s2;
	s6 =	simm.s32 $0x108;
	_ =	swait.ge @!p0 [sflag:s8], $0x0  }
0x24: {  	s3 =	sadd.s32 $0x88, s3;
	s6 =	simm.s32 @!p1 $0x1082;
	[sflag:s4] =	ssyncset.s32 $0xFFFFF086  }
0x25: {  	[simem:s6], [sflag:s4] =	dma.local [hbm:s3], $0xF7A  }
0x26: {  	[smem:$0x3F9F] =	sst s1;
	(tag) =	ssettag s2;
	_ =	strace s9  }
0x27: {  	s1 =	sld [smem:$0x3FAF]  }
0x28: {  	s2 =	sld [smem:$0x3FB0]  }
0x29: {  	s4 =	sld [smem:$0x3FB2]  }
0x2a: {  	p0 =	seq.s32 s5, $0x0;
	s5 =	sld [smem:$0x3FB3]  }
0x2b: {  	s6 =	sld [smem:$0x3FB4]  }
0x2c: {  	s7 =	sld [smem:$0x3FB5]  }
0x2d: {  	s3 =	simm.s32 $0x108;
	s8 =	sld [smem:$0x3FB6]  }
0x2e: {  	s3 =	simm.s32 @!p0 $0x1082;
	s9 =	sld [smem:$0x3FB7]  }
0x2f: {  	lr =	sadd.s32 s0, s3;
	s0 =	sld [smem:$0x3FAE]  }
0x30: {  	s3 =	sld [smem:$0x3FB1]  }
0x31: {  	[smem:$0x3FBA] =	sst s10  }
0x32: {  	s10 =	sld [smem:$0x3FB8];
	_ =	sdelay $0x3  }
0x33: {  	p0 =	seq.s32 s10, $0x1;
	s10 =	sld [smem:$0x3FBA];
	_ =	sdelay $0x3  }
0x34: {  	[smem:$0x3FBA] =	sst s10  }
0x35: {  	s10 =	sld [smem:$0x3FB9];
	_ =	sdelay $0x3  }
0x36: {  	p1 =	seq.s32 s10, $0x1;
	s10 =	sld [smem:$0x3FBA];
	_ =	sdelay $0x3  }
0x37: {  	[smem:$0x3FBA] =	sst s10  }
0x38: {  	s10 =	sld [smem:$0x3FBB]  }
0x39: {  	_ = 	snop;
	(pc) =	sbr.ind lr, $3  }
0x3a: {  	_ = 	snop  }
0x3b: {  	_ = 	snop  }
0x3c: {  	p2 =	seq.s32 s10, $0x1;
	s10 =	sld [smem:$0x3FBA]  }
0x3d: {  	_ =	shalt  }
0x3e: {  	_ =	shalt  }
0x3f: {  	_ =	shalt  }
0x40: {  	_ =	shalt  }
0x41: {  	_ =	shalt  }
0x42: {  	_ =	shalt  }
0x43: {  	_ =	shalt  }
0x44: {  	_ =	shalt  }
0x45: {  	_ =	shalt  }
0x46: {  	_ =	shalt  }
0x47: {  	_ =	shalt  }
0x48: {  	_ =	shalt  }
0x49: {  	_ =	shalt  }
0x4a: {  	_ =	shalt  }
0x4b: {  	_ =	shalt  }
0x4c: {  	_ =	shalt  }
0x4d: {  	_ =	shalt  }
0x4e: {  	_ =	shalt  }
0x4f: {  	_ =	shalt  }
0x50: {  	_ =	shalt  }
0x51: {  	_ =	shalt  }
0x52: {  	_ =	shalt  }
0x53: {  	_ =	shalt  }
0x54: {  	_ =	shalt  }
0x55: {  	_ =	shalt  }
0x56: {  	_ =	shalt  }
0x57: {  	_ =	shalt  }
0x58: {  	_ =	shalt  }
0x59: {  	_ =	shalt  }
0x5a: {  	_ =	shalt  }
0x5b: {  	_ =	shalt  }
0x5c: {  	_ =	shalt  }
0x5d: {  	_ =	shalt  }
0x5e: {  	_ =	shalt  }
0x5f: {  	_ =	shalt  }
0x60: {  	_ =	shalt  }
0x61: {  	_ =	shalt  }
0x62: {  	_ =	shalt  }
0x63: {  	_ =	shalt  }
0x64: {  	_ =	shalt  }
0x65: {  	_ =	shalt  }
0x66: {  	_ =	shalt  }
0x67: {  	_ =	shalt  }
0x68: {  	_ =	shalt  }
0x69: {  	_ =	shalt  }
0x6a: {  	_ =	shalt  }
0x6b: {  	_ =	shalt  }
0x6c: {  	_ =	shalt  }
0x6d: {  	_ =	shalt  }
0x6e: {  	_ =	shalt  }
0x6f: {  	_ =	shalt  }
0x70: {  	_ =	shalt  }
0x71: {  	_ =	shalt  }
0x72: {  	_ =	shalt  }
0x73: {  	_ =	shalt  }
0x74: {  	_ =	shalt  }
0x75: {  	_ =	shalt  }
0x76: {  	_ =	shalt  }
0x77: {  	_ =	shalt  }
0x78: {  	_ =	shalt  }
0x79: {  	_ =	shalt  }
0x7a: {  	_ =	shalt  }
0x7b: {  	_ =	shalt  }
0x7c: {  	_ =	shalt  }
0x7d: {  	_ =	shalt  }
0x7e: {  	_ =	shalt  }
0x7f: {  	_ =	shalt  }
0x80: {  	_ =	shalt  }
0x81: {  	_ =	shalt  }
0x82: {  	_ =	shalt  }
0x83: {  	_ =	shalt  }
0x84: {  	_ =	shalt  }
0x85: {  	_ =	shalt  }
0x86: {  	_ =	shalt  }
0x87: {  	_ =	shalt  }
.Lfunc_end0:
.L_simem_size_0:
called_computation_lowered:
.L_overlay_start_0:
0x88: {  	s2 =	sld [smem:$0x3FD9]  }
0x89: {  	s3 =	sld [smem:$0x3FFE];
	_ =	sdelay $0x1  }
0x8a: {  	s1 =	srdreg.scid  }
0x8b: {  	s0 =	sand.u32 $0x1, s1  }
0x8c: {  	s17 =	sshll.u32 s0, $0xA;
	s2 =	sadd.s32 s3, s2  }
0x8d: {  	s2 =	sadd.s32 s2, s17  }
0x8e: {  	[smem:$0x3FC6] =	sst s2  }
0x8f: {  	_ = 	snop  }
0x90: {  	s2 =	sld [smem:$0x3FC8]  }
0x91: {  	s18 =	sld [smem:$0x3FD0];
	(tm) =	ssettm $0x1  }
0x92: {  	s4 =	sld [smem:$0x3FFB];
	_ =	sdelay $0x3  }
0x93: {  	_ =	strace s4  }
0x94: {  	s4 =	sld [smem:$0x3FFC];
	_ =	sdelay $0x3  }
0x95: {  	_ =	strace s4  }
0x96: {  	s4 =	sld [smem:$0x3FFD];
	_ =	sdelay $0x3  }
0x97: {  	_ =	strace s4  }
0x98: {  	_ =	strace $0x8FFFFFFF  }
0x99: {  	s19 =	sld [smem:$0x3FDB];
	_ =	sdelay $0x1  }
0x9a: {  	s5 =	simm.s32 $_scs_section_size  }
0x9b: {  	s6 =	simm.s32 $_size__tile_overlayer_lowered;
	s7 =	simm.s32 $_tile_overlayer_lowered  }
0x9c: {  	s22 =	simm.s32 $0x1BFF;
	s21 =	sshll.u32 s7, $0x1;
	s4 =	sadd.s32 s5, s19  }
0x9d: {  	s8 =	simm.s32 $0x0;
	s20 =	sshll.u32 s6, $0x1;
	s6 =	sadd.s32 s21, s4  }
0x9e: {  	[timem:s8], [sflag:s22] =	dma.local [hbm:s6], s20  }
0x9f: {  	_ =	swait.ge [sflag:s22], s20  }
0xa0: {  	s5 =	ssub.s32 $0x0, s20;
	[sflag:s22] =	ssyncset.done $0x0  }
0xa1: {  	[sflag:s22] =	ssyncadd.s32 s5;
	_ =	sdelay $0x1  }
0xa2: {  	s23 =	simm.s32 $0x1B8B  }
0xa3: {  	_ =	swait.ge [sflag:s23], $0x1  }
0xa4: {  	[sflag:s23] =	ssyncset.done $0x0  }
0xa5: {  	s25 =	simm.s32 $0x1B8E;
	s24 =	sld [smem:$0x3FFE];
	[sflag:s23] =	ssyncadd.s32 $0xFFFFFFFF  }
0xa6: {  	s26 =	simm.s32 $execute0_lowered;
	[smem:$0x3FD2] =	sst s25  }
0xa7: {  	s6 =	sshll.u32 s26, $0x1;
	_ =	strace $0x80000046;
	[dreg:$0x1] =	wrdreg $0xFFFFFFFF  }
0xa8: {  	s28 =	simm.s32 $_size_execute0_lowered;
	s4 =	sadd.s32 s4, s6;
	[dreg:$0x0] =	wrdreg $0x0  }
0xa9: {  	s6 =	sshll.u32 s28, $0x1;
	[dreg:$0x2] =	wrdreg s4  }
0xaa: {  	[dreg:$0x3] =	wrdreg s6  }
0xab: {  	[dreg:$0x4] =	wrdreg $0xC0  }
0xac: {  	_ =	task [dreg:s8], $0x5FFFF  }
0xad: {  	[dreg:$0x1] =	wrdreg $0xFFFFFFFF  }
0xae: {  	[dreg:$0x0] =	wrdreg $0x60  }
0xaf: {  	[dreg:$0x2] =	wrdreg s2  }
0xb0: {  	[dreg:$0x3] =	wrdreg s24  }
0xb1: {  	[dreg:$0x4] =	wrdreg s18  }
0xb2: {  	[dreg:$0x5] =	wrdreg $0x9  }
0xb3: {  	_ =	task.clear_ibuf [dreg:s8], $0x6FFFF;
	_ =	strace $0x90000046  }
0xb4: {  	s29 =	simm.s32 $0x9;
	_ =	strace $0x80000048  }
0xb5: {  	_ =	swait.ge [sflag:s29], $0x1  }
0xb6: {  	[sflag:s29] =	ssyncadd.s32 $0xFFFFFFFF  }
0xb7: {  	_ =	strace $0x90000048  }
0xb8: {  	_ =	sfence  }
0xb9: {  	s30 =	sld [smem:$0x0];
	_ =	sdelay $0x2  }
0xba: {  	s31 =	sshll.u32 s1, $0xD;
	s1 =	sshrl.u32 s1, $0x2  }
0xbb: {  	s3 =	sand.u32 $0x4000, s31;
	s1 =	sadd.s32 s1, s30  }
0xbc: {  	s0 =	sor.u32 s3, s0;
	s1 =	sshll.u32 s1, $0x11  }
0xbd: {  	s0 =	sor.u32 s1, s0  }
0xbe: {  	s0 =	sadd.s32 $0x8F2B, s0  }
0xbf: {  	[sflag:s0] =	ssyncadd.remote.s32 $0x1  }
0xc0: {  	_ =	sfence.sel $0xFFFF  }
0xc1: {  	[dreg:$0x0] =	wrdreg $0xFFFFFFFF;
	(pc) =	sbr.abs _section_cstart, $3  }
0xc2: {  	[dreg:$0x1] =	wrdreg $0xFFFFFFFF  }
0xc3: {  	_ =	task.clear_ibuf [dreg:s8], $0x2FFFF;
	_ =	strace $0x9FFFFFFF  }
0xc4: {  	(tm) =	ssettm $0x7FFFFFFF  }
0xc5: {  	_ =	shalt  }
tec
execute0_lowered:
.L_overlay_start_1:
0x0: {  	(tag) =	ssettag $0x1  }
0x1: {  	s1 =	rddreg [dreg:$0x0]  }
0x2: {  	s0 =	srdreg.scid;
	s2 =	rddreg [dreg:$0x1]  }
0x3: {  	s3 =	stileid.u32;
	s5 =	rddreg [dreg:$0x2]  }
0x4: {  	s29 =	simm.s32 $0x4;
	s28 =	simm.s32 $0x100;
	s30 =	simm.s32 $0x2100  }
0x5: {  	s31 =	simm.s32 $0x2900;
	s9 =	simm.s32 $0x11900;
	s10 =	simm.s32 $0x12100  }
0x6: {  	s11 =	simm.s32 $0x12900;
	s12 =	simm.s32 $0x13100;
	s13 =	simm.s32 $0x13900  }
0x7: {  	s14 =	simm.s32 $0x14100;
	s15 =	simm.s32 $0x14900;
	s0 =	sand.u32 $0x1, s0  }
0x8: {  	s16 =	simm.s32 $0x15100;
	s3 =	sshll.u32 s3, $0x9;
	s4 =	sshll.u32 s0, $0x8  }
0x9: {  	s17 =	simm.s32 $0x15900;
	s7 =	sadd.s32 $0x300, s1;
	s4 =	sor.u32 s4, s3  }
0xa: {  	s3 =	simm.s32 $0x0;
	s6 =	sshrl.u32 s4, $0x3;
	s4 =	sshll.u32 s4, $0x7  }
0xb: {  	[smem:$0x7FF] =	sst s3;
	s2 =	sadd.s32 s6, s2;
	s18 =	sadd.s32 s5, s4  }
0xc: {  	_ =	strace $0x80000047;
	s2 =	sadd.s32 $0x400, s2;
	[dreg:$0xc] =	wrdreg s18  }
0xd: {  	s0 =	ssub.s32 $0x2, s0;
	s19 =	sadd.s32 $0x1000, s18;
	[dreg:$0x4] =	wrdreg s2  }
0xe: {  	s23 =	sshrl.u32 s0, $0x1;
	s20 =	sadd.s32 $0x2000, s18;
	[dreg:$0x5] =	wrdreg s19  }
0xf: {  	s0 =	ssub.s32 s0, s23;
	s21 =	sadd.s32 $0x3000, s18;
	[dreg:$0x6] =	wrdreg s20  }
0x10: {  	s5 =	sadd.s32 $0x100, s1;
	s22 =	sadd.s32 $0x4000, s18;
	[dreg:$0x7] =	wrdreg s21  }
0x11: {  	s6 =	sadd.s32 $0x200, s1;
	s24 =	sadd.s32 $0x5000, s18;
	[dreg:$0x8] =	wrdreg s22  }
0x12: {  	s8 =	smax.u32 s0, $0x1;
	s25 =	sadd.s32 $0x6000, s18;
	[dreg:$0x9] =	wrdreg s24  }
0x13: {  	s4 =	simm.s32 $0x11100;
	s26 =	sadd.s32 $0x7000, s18;
	[dreg:$0xa] =	wrdreg s25  }
0x14: {  	v2 =	vlaneseq.u32;
	s18 =	simm.s32 $0x16100;
	[dreg:$0xb] =	wrdreg s26;
	s26 =	simm.s32 $0x1  }
0x15: {  	vm0 =	vmmov $0xffff;
	v1 =	vshrl.u32 v2, $0x3;
	s20 =	simm.s32 $0x2;
	s21 =	simm.s32 $0x3;
	s22 =	simm.s32 $0x10100  }
0x16: {  	v0 =	vand.u32 $0x7, v2;
	v2 =	vor.u32 $0x8, v2;
	v1 =	vmul.u32 $0x8, v1;
	s19 =	simm.s32 $0x16900;
	s24 =	simm.s32 $0x17100;
	s25 =	simm.s32 $0x17900  }
.LBB2_1:
0x17: {  	s23 =	rddreg [dreg:$0x4];
	s0 =	simm.s32 $0x5  }
0x18: {  	[tilespmem:s3], [sflag:$0x5] =	stream.linear.gather [hbm4b:s23+s3], $0x100, $0x38;
	[tilespmem:$0x18100] =	vst v63  }
0x19: {  	_ =	swait.ge [sflag:s0], $0x100  }
0x1a: {  	[sflag:s0] =	ssyncset.done $0x0  }
0x1b: {  	[sflag:s0] =	ssyncadd.s32 $0xFFFFFF00  }
0x1c: {  	v3 =	vld [tilespmem:$0x0];
	_ =	sdelay $0x4  }
0x1d: {  	v4 =	vshll.u32 v3, $0x3  }
0x1e: {  	v3 =	vand.u32 $0x7, v3;
	v4 =	vand.u32 $0xFFFFFFC0, v4  }
0x1f: {  	v3 =	vor.u32 v3, v4  }
0x20: {  	v4 =	vperm.xlane v3, v0;
	_ =	sdelay $0x1  }
0x21: {  	v4 =	vadd.s32 v1, v4;
	_ =	sdelay $0x4  }
0x22: {  	[tilespmem:s28], [sflag:$0x1] =	stream.indirect_vreg.gather [hbm4b:s1+s3], $0x80, v4, vm0, $0xb8;
	[tilespmem:$0x18100] =	vst v63  }
0x23: {  	s0 =	simm.s32 $0x900;
	v3 =	vperm.xlane v3, v2  }
0x24: {  	[tilespmem:s0], [sflag:$0x1] =	stream.indirect_vreg.gather [hbm4b:s5+s3], $0x80, v4, vm0, $0xb8;
	[tilespmem:$0x18100] =	vst v63  }
0x25: {  	s2 =	simm.s32 $0x1100;
	v3 =	vadd.s32 v1, v3  }
0x26: {  	[tilespmem:s2], [sflag:$0x1] =	stream.indirect_vreg.gather [hbm4b:s6+s3], $0x80, v4, vm0, $0xb8;
	[tilespmem:$0x18100] =	vst v63  }
0x27: {  	s23 =	simm.s32 $0x1900  }
0x28: {  	[tilespmem:s23], [sflag:$0x1] =	stream.indirect_vreg.gather [hbm4b:s7+s3], $0x80, v4, vm0, $0xb8;
	[tilespmem:$0x18100] =	vst v63  }
0x29: {  	_ = 	snop  }
0x2a: {  	[tilespmem:s30], [sflag:$0x1] =	stream.indirect_vreg.gather [hbm4b:s1+s3], $0x80, v3, vm0, $0xb8;
	[tilespmem:$0x18100] =	vst v63  }
0x2b: {  	_ = 	snop  }
0x2c: {  	[tilespmem:s31], [sflag:$0x1] =	stream.indirect_vreg.gather [hbm4b:s5+s3], $0x80, v3, vm0, $0xb8;
	[tilespmem:$0x18100] =	vst v63  }
0x2d: {  	s2 =	simm.s32 $0x3100  }
0x2e: {  	[tilespmem:s2], [sflag:$0x1] =	stream.indirect_vreg.gather [hbm4b:s6+s3], $0x80, v3, vm0, $0xb8;
	[tilespmem:$0x18100] =	vst v63  }
0x2f: {  	s23 =	simm.s32 $0x3900  }
0x30: {  	[tilespmem:s23], [sflag:$0x1] =	stream.indirect_vreg.gather [hbm4b:s7+s3], $0x80, v3, vm0, $0xb8;
	[tilespmem:$0x18100] =	vst v63  }
0x31: {  	v3 =	vld [tilespmem:$0x10];
	_ =	sdelay $0x4  }
0x32: {  	v49 =	vshll.u32 v3, $0x3  }
0x33: {  	v3 =	vand.u32 $0x7, v3;
	v4 =	vand.u32 $0xFFFFFFC0, v49  }
0x34: {  	v3 =	vor.u32 v3, v4  }
0x35: {  	v4 =	vperm.xlane v3, v0;
	_ =	sdelay $0x1  }
0x36: {  	v4 =	vadd.s32 v1, v4;
	_ =	sdelay $0x3  }
0x37: {  	s2 =	simm.s32 $0x4100  }
0x38: {  	[tilespmem:s2], [sflag:$0x1] =	stream.indirect_vreg.gather [hbm4b:s1+s3], $0x80, v4, vm0, $0xb8;
	[tilespmem:$0x18100] =	vst v63  }
0x39: {  	s23 =	simm.s32 $0x4900;
	v3 =	vperm.xlane v3, v2  }
0x3a: {  	[tilespmem:s23], [sflag:$0x1] =	stream.indirect_vreg.gather [hbm4b:s5+s3], $0x80, v4, vm0, $0xb8;
	[tilespmem:$0x18100] =	vst v63  }
0x3b: {  	v3 =	vadd.s32 v1, v3;
	s2 =	simm.s32 $0x5100  }
0x3c: {  	[tilespmem:s2], [sflag:$0x1] =	stream.indirect_vreg.gather [hbm4b:s6+s3], $0x80, v4, vm0, $0xb8;
	[tilespmem:$0x18100] =	vst v63  }
0x3d: {  	s23 =	simm.s32 $0x5900  }
0x3e: {  	[tilespmem:s23], [sflag:$0x1] =	stream.indirect_vreg.gather [hbm4b:s7+s3], $0x80, v4, vm0, $0xb8;
	[tilespmem:$0x18100] =	vst v63  }
0x3f: {  	s2 =	simm.s32 $0x6100  }
0x40: {  	[tilespmem:s2], [sflag:$0x1] =	stream.indirect_vreg.gather [hbm4b:s1+s3], $0x80, v3, vm0, $0xb8;
	[tilespmem:$0x18100] =	vst v63  }
0x41: {  	s23 =	simm.s32 $0x6900  }
0x42: {  	[tilespmem:s23], [sflag:$0x1] =	stream.indirect_vreg.gather [hbm4b:s5+s3], $0x80, v3, vm0, $0xb8;
	[tilespmem:$0x18100] =	vst v63  }
0x43: {  	s2 =	simm.s32 $0x7100  }
0x44: {  	[tilespmem:s2], [sflag:$0x1] =	stream.indirect_vreg.gather [hbm4b:s6+s3], $0x80, v3, vm0, $0xb8;
	[tilespmem:$0x18100] =	vst v63  }
0x45: {  	s23 =	simm.s32 $0x7900  }
0x46: {  	[tilespmem:s23], [sflag:$0x1] =	stream.indirect_vreg.gather [hbm4b:s7+s3], $0x80, v3, vm0, $0xb8;
	[tilespmem:$0x18100] =	vst v63  }
0x47: {  	_ =	swait.ge [sflag:s26], $0x8000  }
0x48: {  	[sflag:s26] =	ssyncset.done $0x0  }
0x49: {  	s2 =	rddreg [dreg:$0xc];
	[sflag:s26] =	ssyncadd.s32 $0xFFFF8000  }
0x4a: {  	[hbm4b:s2+s3] =	stream.linear.scatter [tilespmem:s28], [sflag:$0x2], $0x8000, $0x38;
	[tilespmem:$0x18100] =	vst v63  }
0x4b: {  	v3 =	vld [tilespmem:$0x20];
	_ =	sdelay $0x4  }
0x4c: {  	v50 =	vshll.u32 v3, $0x3  }
0x4d: {  	v3 =	vand.u32 $0x7, v3;
	v4 =	vand.u32 $0xFFFFFFC0, v50  }
0x4e: {  	v3 =	vor.u32 v3, v4  }
0x4f: {  	v4 =	vperm.xlane v3, v0;
	_ =	sdelay $0x1  }
0x50: {  	v4 =	vadd.s32 v1, v4;
	_ =	sdelay $0x3  }
0x51: {  	s0 =	simm.s32 $0x8100  }
0x52: {  	[tilespmem:s0], [sflag:$0x1] =	stream.indirect_vreg.gather [hbm4b:s1+s3], $0x80, v4, vm0, $0xb8;
	[tilespmem:$0x18100] =	vst v63  }
0x53: {  	s2 =	simm.s32 $0x8900;
	v3 =	vperm.xlane v3, v2  }
0x54: {  	[tilespmem:s2], [sflag:$0x1] =	stream.indirect_vreg.gather [hbm4b:s5+s3], $0x80, v4, vm0, $0xb8;
	[tilespmem:$0x18100] =	vst v63  }
0x55: {  	s23 =	simm.s32 $0x9100;
	v3 =	vadd.s32 v1, v3  }
0x56: {  	[tilespmem:s23], [sflag:$0x1] =	stream.indirect_vreg.gather [hbm4b:s6+s3], $0x80, v4, vm0, $0xb8;
	[tilespmem:$0x18100] =	vst v63  }
0x57: {  	s23 =	simm.s32 $0x9900  }
0x58: {  	[tilespmem:s23], [sflag:$0x1] =	stream.indirect_vreg.gather [hbm4b:s7+s3], $0x80, v4, vm0, $0xb8;
	[tilespmem:$0x18100] =	vst v63  }
0x59: {  	s23 =	simm.s32 $0xA100  }
0x5a: {  	[tilespmem:s23], [sflag:$0x1] =	stream.indirect_vreg.gather [hbm4b:s1+s3], $0x80, v3, vm0, $0xb8;
	[tilespmem:$0x18100] =	vst v63  }
0x5b: {  	s23 =	simm.s32 $0xA900  }
0x5c: {  	[tilespmem:s23], [sflag:$0x1] =	stream.indirect_vreg.gather [hbm4b:s5+s3], $0x80, v3, vm0, $0xb8;
	[tilespmem:$0x18100] =	vst v63  }
0x5d: {  	s23 =	simm.s32 $0xB100  }
0x5e: {  	[tilespmem:s23], [sflag:$0x1] =	stream.indirect_vreg.gather [hbm4b:s6+s3], $0x80, v3, vm0, $0xb8;
	[tilespmem:$0x18100] =	vst v63  }
0x5f: {  	s23 =	simm.s32 $0xB900  }
0x60: {  	[tilespmem:s23], [sflag:$0x1] =	stream.indirect_vreg.gather [hbm4b:s7+s3], $0x80, v3, vm0, $0xb8;
	[tilespmem:$0x18100] =	vst v63  }
0x61: {  	v3 =	vld [tilespmem:$0x30];
	_ =	sdelay $0x4  }
0x62: {  	v51 =	vshll.u32 v3, $0x3  }
0x63: {  	v3 =	vand.u32 $0x7, v3;
	v4 =	vand.u32 $0xFFFFFFC0, v51  }
0x64: {  	v3 =	vor.u32 v3, v4  }
0x65: {  	v4 =	vperm.xlane v3, v0;
	_ =	sdelay $0x1  }
0x66: {  	v4 =	vadd.s32 v1, v4;
	_ =	sdelay $0x3  }
0x67: {  	s23 =	simm.s32 $0xC100  }
0x68: {  	[tilespmem:s23], [sflag:$0x1] =	stream.indirect_vreg.gather [hbm4b:s1+s3], $0x80, v4, vm0, $0xb8;
	[tilespmem:$0x18100] =	vst v63  }
0x69: {  	v3 =	vperm.xlane v3, v2;
	s23 =	simm.s32 $0xC900  }
0x6a: {  	[tilespmem:s23], [sflag:$0x1] =	stream.indirect_vreg.gather [hbm4b:s5+s3], $0x80, v4, vm0, $0xb8;
	[tilespmem:$0x18100] =	vst v63  }
0x6b: {  	v3 =	vadd.s32 v1, v3;
	s23 =	simm.s32 $0xD100  }
0x6c: {  	[tilespmem:s23], [sflag:$0x1] =	stream.indirect_vreg.gather [hbm4b:s6+s3], $0x80, v4, vm0, $0xb8;
	[tilespmem:$0x18100] =	vst v63  }
0x6d: {  	s23 =	simm.s32 $0xD900  }
0x6e: {  	[tilespmem:s23], [sflag:$0x1] =	stream.indirect_vreg.gather [hbm4b:s7+s3], $0x80, v4, vm0, $0xb8;
	[tilespmem:$0x18100] =	vst v63  }
0x6f: {  	s23 =	simm.s32 $0xE100  }
0x70: {  	[tilespmem:s23], [sflag:$0x1] =	stream.indirect_vreg.gather [hbm4b:s1+s3], $0x80, v3, vm0, $0xb8;
	[tilespmem:$0x18100] =	vst v63  }
0x71: {  	s23 =	simm.s32 $0xE900  }
0x72: {  	[tilespmem:s23], [sflag:$0x1] =	stream.indirect_vreg.gather [hbm4b:s5+s3], $0x80, v3, vm0, $0xb8;
	[tilespmem:$0x18100] =	vst v63  }
0x73: {  	s23 =	simm.s32 $0xF100  }
0x74: {  	[tilespmem:s23], [sflag:$0x1] =	stream.indirect_vreg.gather [hbm4b:s6+s3], $0x80, v3, vm0, $0xb8;
	[tilespmem:$0x18100] =	vst v63  }
0x75: {  	s23 =	simm.s32 $0xF900  }
0x76: {  	[tilespmem:s23], [sflag:$0x1] =	stream.indirect_vreg.gather [hbm4b:s7+s3], $0x80, v3, vm0, $0xb8;
	[tilespmem:$0x18100] =	vst v63  }
0x77: {  	_ =	swait.ge [sflag:s26], $0x8000  }
0x78: {  	[sflag:s26] =	ssyncset.done $0x0  }
0x79: {  	s2 =	rddreg [dreg:$0x5];
	[sflag:s26] =	ssyncadd.s32 $0xFFFF8000  }
0x7a: {  	[hbm4b:s2+s3] =	stream.linear.scatter [tilespmem:s0], [sflag:$0x3], $0x8000, $0x38;
	[tilespmem:$0x18100] =	vst v63  }
0x7b: {  	v3 =	vld [tilespmem:$0x40];
	_ =	sdelay $0x4  }
0x7c: {  	v52 =	vshll.u32 v3, $0x3  }
0x7d: {  	v3 =	vand.u32 $0x7, v3;
	v4 =	vand.u32 $0xFFFFFFC0, v52  }
0x7e: {  	v3 =	vor.u32 v3, v4  }
0x7f: {  	v4 =	vperm.xlane v3, v0;
	_ =	sdelay $0x1  }
0x80: {  	v4 =	vadd.s32 v1, v4;
	_ =	sdelay $0x4  }
0x81: {  	[tilespmem:s22], [sflag:$0x1] =	stream.indirect_vreg.gather [hbm4b:s1+s3], $0x80, v4, vm0, $0xb8;
	[tilespmem:$0x18100] =	vst v63  }
0x82: {  	s2 =	simm.s32 $0x10900;
	v3 =	vperm.xlane v3, v2  }
0x83: {  	[tilespmem:s2], [sflag:$0x1] =	stream.indirect_vreg.gather [hbm4b:s5+s3], $0x80, v4, vm0, $0xb8;
	[tilespmem:$0x18100] =	vst v63  }
0x84: {  	v3 =	vadd.s32 v1, v3  }
0x85: {  	[tilespmem:s4], [sflag:$0x1] =	stream.indirect_vreg.gather [hbm4b:s6+s3], $0x80, v4, vm0, $0xb8;
	[tilespmem:$0x18100] =	vst v63  }
0x86: {  	_ = 	snop  }
0x87: {  	[tilespmem:s9], [sflag:$0x1] =	stream.indirect_vreg.gather [hbm4b:s7+s3], $0x80, v4, vm0, $0xb8;
	[tilespmem:$0x18100] =	vst v63  }
0x88: {  	_ = 	snop  }
0x89: {  	[tilespmem:s10], [sflag:$0x1] =	stream.indirect_vreg.gather [hbm4b:s1+s3], $0x80, v3, vm0, $0xb8;
	[tilespmem:$0x18100] =	vst v63  }
0x8a: {  	_ = 	snop  }
0x8b: {  	[tilespmem:s11], [sflag:$0x1] =	stream.indirect_vreg.gather [hbm4b:s5+s3], $0x80, v3, vm0, $0xb8;
	[tilespmem:$0x18100] =	vst v63  }
0x8c: {  	_ = 	snop  }
0x8d: {  	[tilespmem:s12], [sflag:$0x1] =	stream.indirect_vreg.gather [hbm4b:s6+s3], $0x80, v3, vm0, $0xb8;
	[tilespmem:$0x18100] =	vst v63  }
0x8e: {  	_ = 	snop  }
0x8f: {  	[tilespmem:s13], [sflag:$0x1] =	stream.indirect_vreg.gather [hbm4b:s7+s3], $0x80, v3, vm0, $0xb8;
	[tilespmem:$0x18100] =	vst v63  }
0x90: {  	v3 =	vld [tilespmem:$0x50];
	_ =	sdelay $0x4  }
0x91: {  	v53 =	vshll.u32 v3, $0x3  }
0x92: {  	v3 =	vand.u32 $0x7, v3;
	v4 =	vand.u32 $0xFFFFFFC0, v53  }
0x93: {  	v3 =	vor.u32 v3, v4  }
0x94: {  	v4 =	vperm.xlane v3, v0;
	_ =	sdelay $0x1  }
0x95: {  	v4 =	vadd.s32 v1, v4;
	_ =	sdelay $0x4  }
0x96: {  	[tilespmem:s14], [sflag:$0x1] =	stream.indirect_vreg.gather [hbm4b:s1+s3], $0x80, v4, vm0, $0xb8;
	[tilespmem:$0x18100] =	vst v63  }
0x97: {  	v3 =	vperm.xlane v3, v2  }
0x98: {  	[tilespmem:s15], [sflag:$0x1] =	stream.indirect_vreg.gather [hbm4b:s5+s3], $0x80, v4, vm0, $0xb8;
	[tilespmem:$0x18100] =	vst v63  }
0x99: {  	v3 =	vadd.s32 v1, v3  }
0x9a: {  	[tilespmem:s16], [sflag:$0x1] =	stream.indirect_vreg.gather [hbm4b:s6+s3], $0x80, v4, vm0, $0xb8;
	[tilespmem:$0x18100] =	vst v63  }
0x9b: {  	_ = 	snop  }
0x9c: {  	[tilespmem:s17], [sflag:$0x1] =	stream.indirect_vreg.gather [hbm4b:s7+s3], $0x80, v4, vm0, $0xb8;
	[tilespmem:$0x18100] =	vst v63  }
0x9d: {  	_ = 	snop  }
0x9e: {  	[tilespmem:s18], [sflag:$0x1] =	stream.indirect_vreg.gather [hbm4b:s1+s3], $0x80, v3, vm0, $0xb8;
	[tilespmem:$0x18100] =	vst v63  }
0x9f: {  	_ = 	snop  }
0xa0: {  	[tilespmem:s19], [sflag:$0x1] =	stream.indirect_vreg.gather [hbm4b:s5+s3], $0x80, v3, vm0, $0xb8;
	[tilespmem:$0x18100] =	vst v63  }
0xa1: {  	_ = 	snop  }
0xa2: {  	[tilespmem:s24], [sflag:$0x1] =	stream.indirect_vreg.gather [hbm4b:s6+s3], $0x80, v3, vm0, $0xb8;
	[tilespmem:$0x18100] =	vst v63  }
0xa3: {  	_ = 	snop  }
0xa4: {  	[tilespmem:s25], [sflag:$0x1] =	stream.indirect_vreg.gather [hbm4b:s7+s3], $0x80, v3, vm0, $0xb8;
	[tilespmem:$0x18100] =	vst v63  }
0xa5: {  	_ =	swait.ge [sflag:s26], $0x8000  }
0xa6: {  	[sflag:s26] =	ssyncset.done $0x0  }
0xa7: {  	s23 =	rddreg [dreg:$0x6];
	[sflag:s26] =	ssyncadd.s32 $0xFFFF8000  }
0xa8: {  	[hbm4b:s23+s3] =	stream.linear.scatter [tilespmem:s22], [sflag:$0x4], $0x8000, $0x38;
	[tilespmem:$0x18100] =	vst v63  }
0xa9: {  	v3 =	vld [tilespmem:$0x60];
	_ =	sdelay $0x4  }
0xaa: {  	v54 =	vshll.u32 v3, $0x3  }
0xab: {  	v3 =	vand.u32 $0x7, v3;
	v4 =	vand.u32 $0xFFFFFFC0, v54  }
0xac: {  	v3 =	vor.u32 v3, v4  }
0xad: {  	v4 =	vperm.xlane v3, v0;
	_ =	sdelay $0x1  }
0xae: {  	v4 =	vadd.s32 v1, v4;
	_ =	sdelay $0x4  }
0xaf: {  	[tilespmem:s28], [sflag:$0x1] =	stream.indirect_vreg.gather [hbm4b:s1+s3], $0x80, v4, vm0, $0xb8;
	[tilespmem:$0x18100] =	vst v63  }
0xb0: {  	s23 =	simm.s32 $0x900;
	v3 =	vperm.xlane v3, v2  }
0xb1: {  	[tilespmem:s23], [sflag:$0x1] =	stream.indirect_vreg.gather [hbm4b:s5+s3], $0x80, v4, vm0, $0xb8;
	[tilespmem:$0x18100] =	vst v63  }
0xb2: {  	v3 =	vadd.s32 v1, v3;
	s23 =	simm.s32 $0x1100  }
0xb3: {  	[tilespmem:s23], [sflag:$0x1] =	stream.indirect_vreg.gather [hbm4b:s6+s3], $0x80, v4, vm0, $0xb8;
	[tilespmem:$0x18100] =	vst v63  }
0xb4: {  	s23 =	simm.s32 $0x1900  }
0xb5: {  	[tilespmem:s23], [sflag:$0x1] =	stream.indirect_vreg.gather [hbm4b:s7+s3], $0x80, v4, vm0, $0xb8;
	[tilespmem:$0x18100] =	vst v63  }
0xb6: {  	_ = 	snop  }
0xb7: {  	[tilespmem:s30], [sflag:$0x1] =	stream.indirect_vreg.gather [hbm4b:s1+s3], $0x80, v3, vm0, $0xb8;
	[tilespmem:$0x18100] =	vst v63  }
0xb8: {  	_ = 	snop  }
0xb9: {  	[tilespmem:s31], [sflag:$0x1] =	stream.indirect_vreg.gather [hbm4b:s5+s3], $0x80, v3, vm0, $0xb8;
	[tilespmem:$0x18100] =	vst v63  }
0xba: {  	s23 =	simm.s32 $0x3100  }
0xbb: {  	[tilespmem:s23], [sflag:$0x1] =	stream.indirect_vreg.gather [hbm4b:s6+s3], $0x80, v3, vm0, $0xb8;
	[tilespmem:$0x18100] =	vst v63  }
0xbc: {  	s23 =	simm.s32 $0x3900  }
0xbd: {  	[tilespmem:s23], [sflag:$0x1] =	stream.indirect_vreg.gather [hbm4b:s7+s3], $0x80, v3, vm0, $0xb8;
	[tilespmem:$0x18100] =	vst v63  }
0xbe: {  	v3 =	vld [tilespmem:$0x70];
	_ =	sdelay $0x4  }
0xbf: {  	v55 =	vshll.u32 v3, $0x3  }
0xc0: {  	v3 =	vand.u32 $0x7, v3;
	v4 =	vand.u32 $0xFFFFFFC0, v55  }
0xc1: {  	v3 =	vor.u32 v3, v4  }
0xc2: {  	v4 =	vperm.xlane v3, v0;
	_ =	sdelay $0x1  }
0xc3: {  	v4 =	vadd.s32 v1, v4;
	_ =	sdelay $0x3  }
0xc4: {  	s23 =	simm.s32 $0x4100  }
0xc5: {  	[tilespmem:s23], [sflag:$0x1] =	stream.indirect_vreg.gather [hbm4b:s1+s3], $0x80, v4, vm0, $0xb8;
	[tilespmem:$0x18100] =	vst v63  }
0xc6: {  	v3 =	vperm.xlane v3, v2;
	s23 =	simm.s32 $0x4900  }
0xc7: {  	[tilespmem:s23], [sflag:$0x1] =	stream.indirect_vreg.gather [hbm4b:s5+s3], $0x80, v4, vm0, $0xb8;
	[tilespmem:$0x18100] =	vst v63  }
0xc8: {  	v3 =	vadd.s32 v1, v3;
	s23 =	simm.s32 $0x5100  }
0xc9: {  	[tilespmem:s23], [sflag:$0x1] =	stream.indirect_vreg.gather [hbm4b:s6+s3], $0x80, v4, vm0, $0xb8;
	[tilespmem:$0x18100] =	vst v63  }
0xca: {  	s23 =	simm.s32 $0x5900  }
0xcb: {  	[tilespmem:s23], [sflag:$0x1] =	stream.indirect_vreg.gather [hbm4b:s7+s3], $0x80, v4, vm0, $0xb8;
	[tilespmem:$0x18100] =	vst v63  }
0xcc: {  	s23 =	simm.s32 $0x6100  }
0xcd: {  	[tilespmem:s23], [sflag:$0x1] =	stream.indirect_vreg.gather [hbm4b:s1+s3], $0x80, v3, vm0, $0xb8;
	[tilespmem:$0x18100] =	vst v63  }
0xce: {  	s23 =	simm.s32 $0x6900  }
0xcf: {  	[tilespmem:s23], [sflag:$0x1] =	stream.indirect_vreg.gather [hbm4b:s5+s3], $0x80, v3, vm0, $0xb8;
	[tilespmem:$0x18100] =	vst v63  }
0xd0: {  	s23 =	simm.s32 $0x7100  }
0xd1: {  	[tilespmem:s23], [sflag:$0x1] =	stream.indirect_vreg.gather [hbm4b:s6+s3], $0x80, v3, vm0, $0xb8;
	[tilespmem:$0x18100] =	vst v63  }
0xd2: {  	s23 =	simm.s32 $0x7900  }
0xd3: {  	[tilespmem:s23], [sflag:$0x1] =	stream.indirect_vreg.gather [hbm4b:s7+s3], $0x80, v3, vm0, $0xb8;
	[tilespmem:$0x18100] =	vst v63  }
0xd4: {  	_ =	swait.ge [sflag:s20], $0x8000  }
0xd5: {  	[sflag:s20] =	ssyncset.done $0x0  }
0xd6: {  	[sflag:s20] =	ssyncadd.s32 $0xFFFF8000  }
0xd7: {  	_ =	swait.ge [sflag:s26], $0x8000  }
0xd8: {  	[sflag:s26] =	ssyncset.done $0x0  }
0xd9: {  	s23 =	rddreg [dreg:$0x7];
	[sflag:s26] =	ssyncadd.s32 $0xFFFF8000  }
0xda: {  	[hbm4b:s23+s3] =	stream.linear.scatter [tilespmem:s28], [sflag:$0x2], $0x8000, $0x38;
	[tilespmem:$0x18100] =	vst v63  }
0xdb: {  	v3 =	vld [tilespmem:$0x80];
	_ =	sdelay $0x4  }
0xdc: {  	v56 =	vshll.u32 v3, $0x3  }
0xdd: {  	v3 =	vand.u32 $0x7, v3;
	v4 =	vand.u32 $0xFFFFFFC0, v56  }
0xde: {  	v3 =	vor.u32 v3, v4  }
0xdf: {  	v4 =	vperm.xlane v3, v0;
	_ =	sdelay $0x1  }
0xe0: {  	v4 =	vadd.s32 v1, v4;
	_ =	sdelay $0x4  }
0xe1: {  	[tilespmem:s0], [sflag:$0x1] =	stream.indirect_vreg.gather [hbm4b:s1+s3], $0x80, v4, vm0, $0xb8;
	[tilespmem:$0x18100] =	vst v63  }
0xe2: {  	s23 =	simm.s32 $0x8900;
	v3 =	vperm.xlane v3, v2  }
0xe3: {  	[tilespmem:s23], [sflag:$0x1] =	stream.indirect_vreg.gather [hbm4b:s5+s3], $0x80, v4, vm0, $0xb8;
	[tilespmem:$0x18100] =	vst v63  }
0xe4: {  	v3 =	vadd.s32 v1, v3;
	s23 =	simm.s32 $0x9100  }
0xe5: {  	[tilespmem:s23], [sflag:$0x1] =	stream.indirect_vreg.gather [hbm4b:s6+s3], $0x80, v4, vm0, $0xb8;
	[tilespmem:$0x18100] =	vst v63  }
0xe6: {  	s23 =	simm.s32 $0x9900  }
0xe7: {  	[tilespmem:s23], [sflag:$0x1] =	stream.indirect_vreg.gather [hbm4b:s7+s3], $0x80, v4, vm0, $0xb8;
	[tilespmem:$0x18100] =	vst v63  }
0xe8: {  	s23 =	simm.s32 $0xA100  }
0xe9: {  	[tilespmem:s23], [sflag:$0x1] =	stream.indirect_vreg.gather [hbm4b:s1+s3], $0x80, v3, vm0, $0xb8;
	[tilespmem:$0x18100] =	vst v63  }
0xea: {  	s23 =	simm.s32 $0xA900  }
0xeb: {  	[tilespmem:s23], [sflag:$0x1] =	stream.indirect_vreg.gather [hbm4b:s5+s3], $0x80, v3, vm0, $0xb8;
	[tilespmem:$0x18100] =	vst v63  }
0xec: {  	s23 =	simm.s32 $0xB100  }
0xed: {  	[tilespmem:s23], [sflag:$0x1] =	stream.indirect_vreg.gather [hbm4b:s6+s3], $0x80, v3, vm0, $0xb8;
	[tilespmem:$0x18100] =	vst v63  }
0xee: {  	s23 =	simm.s32 $0xB900  }
0xef: {  	[tilespmem:s23], [sflag:$0x1] =	stream.indirect_vreg.gather [hbm4b:s7+s3], $0x80, v3, vm0, $0xb8;
	[tilespmem:$0x18100] =	vst v63  }
0xf0: {  	v3 =	vld [tilespmem:$0x90];
	_ =	sdelay $0x4  }
0xf1: {  	v57 =	vshll.u32 v3, $0x3  }
0xf2: {  	v3 =	vand.u32 $0x7, v3;
	v4 =	vand.u32 $0xFFFFFFC0, v57  }
0xf3: {  	v3 =	vor.u32 v3, v4  }
0xf4: {  	v4 =	vperm.xlane v3, v0;
	_ =	sdelay $0x1  }
0xf5: {  	v4 =	vadd.s32 v1, v4;
	_ =	sdelay $0x3  }
0xf6: {  	s23 =	simm.s32 $0xC100  }
0xf7: {  	[tilespmem:s23], [sflag:$0x1] =	stream.indirect_vreg.gather [hbm4b:s1+s3], $0x80, v4, vm0, $0xb8;
	[tilespmem:$0x18100] =	vst v63  }
0xf8: {  	v3 =	vperm.xlane v3, v2;
	s23 =	simm.s32 $0xC900  }
0xf9: {  	[tilespmem:s23], [sflag:$0x1] =	stream.indirect_vreg.gather [hbm4b:s5+s3], $0x80, v4, vm0, $0xb8;
	[tilespmem:$0x18100] =	vst v63  }
0xfa: {  	v3 =	vadd.s32 v1, v3;
	s23 =	simm.s32 $0xD100  }
0xfb: {  	[tilespmem:s23], [sflag:$0x1] =	stream.indirect_vreg.gather [hbm4b:s6+s3], $0x80, v4, vm0, $0xb8;
	[tilespmem:$0x18100] =	vst v63  }
0xfc: {  	s23 =	simm.s32 $0xD900  }
0xfd: {  	[tilespmem:s23], [sflag:$0x1] =	stream.indirect_vreg.gather [hbm4b:s7+s3], $0x80, v4, vm0, $0xb8;
	[tilespmem:$0x18100] =	vst v63  }
0xfe: {  	s23 =	simm.s32 $0xE100  }
0xff: {  	[tilespmem:s23], [sflag:$0x1] =	stream.indirect_vreg.gather [hbm4b:s1+s3], $0x80, v3, vm0, $0xb8;
	[tilespmem:$0x18100] =	vst v63  }
0x100: {  	s23 =	simm.s32 $0xE900  }
0x101: {  	[tilespmem:s23], [sflag:$0x1] =	stream.indirect_vreg.gather [hbm4b:s5+s3], $0x80, v3, vm0, $0xb8;
	[tilespmem:$0x18100] =	vst v63  }
0x102: {  	s23 =	simm.s32 $0xF100  }
0x103: {  	[tilespmem:s23], [sflag:$0x1] =	stream.indirect_vreg.gather [hbm4b:s6+s3], $0x80, v3, vm0, $0xb8;
	[tilespmem:$0x18100] =	vst v63  }
0x104: {  	s23 =	simm.s32 $0xF900  }
0x105: {  	[tilespmem:s23], [sflag:$0x1] =	stream.indirect_vreg.gather [hbm4b:s7+s3], $0x80, v3, vm0, $0xb8;
	[tilespmem:$0x18100] =	vst v63  }
0x106: {  	_ =	swait.ge [sflag:s21], $0x8000  }
0x107: {  	[sflag:s21] =	ssyncset.done $0x0  }
0x108: {  	[sflag:s21] =	ssyncadd.s32 $0xFFFF8000  }
0x109: {  	_ =	swait.ge [sflag:s26], $0x8000  }
0x10a: {  	[sflag:s26] =	ssyncset.done $0x0  }
0x10b: {  	s23 =	rddreg [dreg:$0x8];
	[sflag:s26] =	ssyncadd.s32 $0xFFFF8000  }
0x10c: {  	[hbm4b:s23+s3] =	stream.linear.scatter [tilespmem:s0], [sflag:$0x3], $0x8000, $0x38;
	[tilespmem:$0x18100] =	vst v63  }
0x10d: {  	v3 =	vld [tilespmem:$0xA0];
	_ =	sdelay $0x4  }
0x10e: {  	v58 =	vshll.u32 v3, $0x3  }
0x10f: {  	v3 =	vand.u32 $0x7, v3;
	v4 =	vand.u32 $0xFFFFFFC0, v58  }
0x110: {  	v3 =	vor.u32 v3, v4  }
0x111: {  	v4 =	vperm.xlane v3, v0;
	_ =	sdelay $0x1  }
0x112: {  	v4 =	vadd.s32 v1, v4;
	_ =	sdelay $0x4  }
0x113: {  	[tilespmem:s22], [sflag:$0x1] =	stream.indirect_vreg.gather [hbm4b:s1+s3], $0x80, v4, vm0, $0xb8;
	[tilespmem:$0x18100] =	vst v63  }
0x114: {  	v3 =	vperm.xlane v3, v2  }
0x115: {  	[tilespmem:s2], [sflag:$0x1] =	stream.indirect_vreg.gather [hbm4b:s5+s3], $0x80, v4, vm0, $0xb8;
	[tilespmem:$0x18100] =	vst v63  }
0x116: {  	v3 =	vadd.s32 v1, v3  }
0x117: {  	[tilespmem:s4], [sflag:$0x1] =	stream.indirect_vreg.gather [hbm4b:s6+s3], $0x80, v4, vm0, $0xb8;
	[tilespmem:$0x18100] =	vst v63  }
0x118: {  	_ = 	snop  }
0x119: {  	[tilespmem:s9], [sflag:$0x1] =	stream.indirect_vreg.gather [hbm4b:s7+s3], $0x80, v4, vm0, $0xb8;
	[tilespmem:$0x18100] =	vst v63  }
0x11a: {  	_ = 	snop  }
0x11b: {  	[tilespmem:s10], [sflag:$0x1] =	stream.indirect_vreg.gather [hbm4b:s1+s3], $0x80, v3, vm0, $0xb8;
	[tilespmem:$0x18100] =	vst v63  }
0x11c: {  	_ = 	snop  }
0x11d: {  	[tilespmem:s11], [sflag:$0x1] =	stream.indirect_vreg.gather [hbm4b:s5+s3], $0x80, v3, vm0, $0xb8;
	[tilespmem:$0x18100] =	vst v63  }
0x11e: {  	_ = 	snop  }
0x11f: {  	[tilespmem:s12], [sflag:$0x1] =	stream.indirect_vreg.gather [hbm4b:s6+s3], $0x80, v3, vm0, $0xb8;
	[tilespmem:$0x18100] =	vst v63  }
0x120: {  	_ = 	snop  }
0x121: {  	[tilespmem:s13], [sflag:$0x1] =	stream.indirect_vreg.gather [hbm4b:s7+s3], $0x80, v3, vm0, $0xb8;
	[tilespmem:$0x18100] =	vst v63  }
0x122: {  	v3 =	vld [tilespmem:$0xB0];
	_ =	sdelay $0x4  }
0x123: {  	v59 =	vshll.u32 v3, $0x3  }
0x124: {  	v3 =	vand.u32 $0x7, v3;
	v4 =	vand.u32 $0xFFFFFFC0, v59  }
0x125: {  	v3 =	vor.u32 v3, v4  }
0x126: {  	v4 =	vperm.xlane v3, v0;
	_ =	sdelay $0x1  }
0x127: {  	v4 =	vadd.s32 v1, v4;
	_ =	sdelay $0x4  }
0x128: {  	[tilespmem:s14], [sflag:$0x1] =	stream.indirect_vreg.gather [hbm4b:s1+s3], $0x80, v4, vm0, $0xb8;
	[tilespmem:$0x18100] =	vst v63  }
0x129: {  	v3 =	vperm.xlane v3, v2  }
0x12a: {  	[tilespmem:s15], [sflag:$0x1] =	stream.indirect_vreg.gather [hbm4b:s5+s3], $0x80, v4, vm0, $0xb8;
	[tilespmem:$0x18100] =	vst v63  }
0x12b: {  	v3 =	vadd.s32 v1, v3  }
0x12c: {  	[tilespmem:s16], [sflag:$0x1] =	stream.indirect_vreg.gather [hbm4b:s6+s3], $0x80, v4, vm0, $0xb8;
	[tilespmem:$0x18100] =	vst v63  }
0x12d: {  	_ = 	snop  }
0x12e: {  	[tilespmem:s17], [sflag:$0x1] =	stream.indirect_vreg.gather [hbm4b:s7+s3], $0x80, v4, vm0, $0xb8;
	[tilespmem:$0x18100] =	vst v63  }
0x12f: {  	_ = 	snop  }
0x130: {  	[tilespmem:s18], [sflag:$0x1] =	stream.indirect_vreg.gather [hbm4b:s1+s3], $0x80, v3, vm0, $0xb8;
	[tilespmem:$0x18100] =	vst v63  }
0x131: {  	_ = 	snop  }
0x132: {  	[tilespmem:s19], [sflag:$0x1] =	stream.indirect_vreg.gather [hbm4b:s5+s3], $0x80, v3, vm0, $0xb8;
	[tilespmem:$0x18100] =	vst v63  }
0x133: {  	_ = 	snop  }
0x134: {  	[tilespmem:s24], [sflag:$0x1] =	stream.indirect_vreg.gather [hbm4b:s6+s3], $0x80, v3, vm0, $0xb8;
	[tilespmem:$0x18100] =	vst v63  }
0x135: {  	_ = 	snop  }
0x136: {  	[tilespmem:s25], [sflag:$0x1] =	stream.indirect_vreg.gather [hbm4b:s7+s3], $0x80, v3, vm0, $0xb8;
	[tilespmem:$0x18100] =	vst v63  }
0x137: {  	_ =	swait.ge [sflag:s29], $0x8000  }
0x138: {  	[sflag:s29] =	ssyncset.done $0x0  }
0x139: {  	[sflag:s29] =	ssyncadd.s32 $0xFFFF8000  }
0x13a: {  	_ =	swait.ge [sflag:s26], $0x8000  }
0x13b: {  	[sflag:s26] =	ssyncset.done $0x0  }
0x13c: {  	s2 =	rddreg [dreg:$0x9];
	[sflag:s26] =	ssyncadd.s32 $0xFFFF8000  }
0x13d: {  	[hbm4b:s2+s3] =	stream.linear.scatter [tilespmem:s22], [sflag:$0x4], $0x8000, $0x38;
	[tilespmem:$0x18100] =	vst v63  }
0x13e: {  	v3 =	vld [tilespmem:$0xC0];
	_ =	sdelay $0x4  }
0x13f: {  	v60 =	vshll.u32 v3, $0x3  }
0x140: {  	v3 =	vand.u32 $0x7, v3;
	v4 =	vand.u32 $0xFFFFFFC0, v60  }
0x141: {  	v3 =	vor.u32 v3, v4  }
0x142: {  	v4 =	vperm.xlane v3, v0;
	_ =	sdelay $0x1  }
0x143: {  	v4 =	vadd.s32 v1, v4;
	_ =	sdelay $0x4  }
0x144: {  	[tilespmem:s28], [sflag:$0x1] =	stream.indirect_vreg.gather [hbm4b:s1+s3], $0x80, v4, vm0, $0xb8;
	[tilespmem:$0x18100] =	vst v63  }
0x145: {  	s23 =	simm.s32 $0x900;
	v3 =	vperm.xlane v3, v2  }
0x146: {  	[tilespmem:s23], [sflag:$0x1] =	stream.indirect_vreg.gather [hbm4b:s5+s3], $0x80, v4, vm0, $0xb8;
	[tilespmem:$0x18100] =	vst v63  }
0x147: {  	v3 =	vadd.s32 v1, v3;
	s23 =	simm.s32 $0x1100  }
0x148: {  	[tilespmem:s23], [sflag:$0x1] =	stream.indirect_vreg.gather [hbm4b:s6+s3], $0x80, v4, vm0, $0xb8;
	[tilespmem:$0x18100] =	vst v63  }
0x149: {  	s23 =	simm.s32 $0x1900  }
0x14a: {  	[tilespmem:s23], [sflag:$0x1] =	stream.indirect_vreg.gather [hbm4b:s7+s3], $0x80, v4, vm0, $0xb8;
	[tilespmem:$0x18100] =	vst v63  }
0x14b: {  	_ = 	snop  }
0x14c: {  	[tilespmem:s30], [sflag:$0x1] =	stream.indirect_vreg.gather [hbm4b:s1+s3], $0x80, v3, vm0, $0xb8;
	[tilespmem:$0x18100] =	vst v63  }
0x14d: {  	_ = 	snop  }
0x14e: {  	[tilespmem:s31], [sflag:$0x1] =	stream.indirect_vreg.gather [hbm4b:s5+s3], $0x80, v3, vm0, $0xb8;
	[tilespmem:$0x18100] =	vst v63  }
0x14f: {  	s23 =	simm.s32 $0x3100  }
0x150: {  	[tilespmem:s23], [sflag:$0x1] =	stream.indirect_vreg.gather [hbm4b:s6+s3], $0x80, v3, vm0, $0xb8;
	[tilespmem:$0x18100] =	vst v63  }
0x151: {  	s23 =	simm.s32 $0x3900  }
0x152: {  	[tilespmem:s23], [sflag:$0x1] =	stream.indirect_vreg.gather [hbm4b:s7+s3], $0x80, v3, vm0, $0xb8;
	[tilespmem:$0x18100] =	vst v63  }
0x153: {  	v3 =	vld [tilespmem:$0xD0];
	_ =	sdelay $0x4  }
0x154: {  	v61 =	vshll.u32 v3, $0x3  }
0x155: {  	v3 =	vand.u32 $0x7, v3;
	v4 =	vand.u32 $0xFFFFFFC0, v61  }
0x156: {  	v3 =	vor.u32 v3, v4  }
0x157: {  	v4 =	vperm.xlane v3, v0;
	_ =	sdelay $0x1  }
0x158: {  	v4 =	vadd.s32 v1, v4;
	_ =	sdelay $0x3  }
0x159: {  	s23 =	simm.s32 $0x4100  }
0x15a: {  	[tilespmem:s23], [sflag:$0x1] =	stream.indirect_vreg.gather [hbm4b:s1+s3], $0x80, v4, vm0, $0xb8;
	[tilespmem:$0x18100] =	vst v63  }
0x15b: {  	v3 =	vperm.xlane v3, v2;
	s23 =	simm.s32 $0x4900  }
0x15c: {  	[tilespmem:s23], [sflag:$0x1] =	stream.indirect_vreg.gather [hbm4b:s5+s3], $0x80, v4, vm0, $0xb8;
	[tilespmem:$0x18100] =	vst v63  }
0x15d: {  	v3 =	vadd.s32 v1, v3;
	s23 =	simm.s32 $0x5100  }
0x15e: {  	[tilespmem:s23], [sflag:$0x1] =	stream.indirect_vreg.gather [hbm4b:s6+s3], $0x80, v4, vm0, $0xb8;
	[tilespmem:$0x18100] =	vst v63  }
0x15f: {  	s23 =	simm.s32 $0x5900  }
0x160: {  	[tilespmem:s23], [sflag:$0x1] =	stream.indirect_vreg.gather [hbm4b:s7+s3], $0x80, v4, vm0, $0xb8;
	[tilespmem:$0x18100] =	vst v63  }
0x161: {  	s23 =	simm.s32 $0x6100  }
0x162: {  	[tilespmem:s23], [sflag:$0x1] =	stream.indirect_vreg.gather [hbm4b:s1+s3], $0x80, v3, vm0, $0xb8;
	[tilespmem:$0x18100] =	vst v63  }
0x163: {  	s23 =	simm.s32 $0x6900  }
0x164: {  	[tilespmem:s23], [sflag:$0x1] =	stream.indirect_vreg.gather [hbm4b:s5+s3], $0x80, v3, vm0, $0xb8;
	[tilespmem:$0x18100] =	vst v63  }
0x165: {  	s23 =	simm.s32 $0x7100  }
0x166: {  	[tilespmem:s23], [sflag:$0x1] =	stream.indirect_vreg.gather [hbm4b:s6+s3], $0x80, v3, vm0, $0xb8;
	[tilespmem:$0x18100] =	vst v63  }
0x167: {  	s23 =	simm.s32 $0x7900  }
0x168: {  	[tilespmem:s23], [sflag:$0x1] =	stream.indirect_vreg.gather [hbm4b:s7+s3], $0x80, v3, vm0, $0xb8;
	[tilespmem:$0x18100] =	vst v63  }
0x169: {  	_ =	swait.ge [sflag:s20], $0x8000  }
0x16a: {  	[sflag:s20] =	ssyncset.done $0x0  }
0x16b: {  	[sflag:s20] =	ssyncadd.s32 $0xFFFF8000  }
0x16c: {  	_ =	swait.ge [sflag:s26], $0x8000  }
0x16d: {  	[sflag:s26] =	ssyncset.done $0x0  }
0x16e: {  	s2 =	rddreg [dreg:$0xa];
	[sflag:s26] =	ssyncadd.s32 $0xFFFF8000  }
0x16f: {  	[hbm4b:s2+s3] =	stream.linear.scatter [tilespmem:s28], [sflag:$0x2], $0x8000, $0x38;
	[tilespmem:$0x18100] =	vst v63  }
0x170: {  	v3 =	vld [tilespmem:$0xE0];
	_ =	sdelay $0x4  }
0x171: {  	v62 =	vshll.u32 v3, $0x3  }
0x172: {  	v3 =	vand.u32 $0x7, v3;
	v4 =	vand.u32 $0xFFFFFFC0, v62  }
0x173: {  	v3 =	vor.u32 v3, v4  }
0x174: {  	v4 =	vperm.xlane v3, v0;
	_ =	sdelay $0x1  }
0x175: {  	v4 =	vadd.s32 v1, v4;
	_ =	sdelay $0x4  }
0x176: {  	[tilespmem:s0], [sflag:$0x1] =	stream.indirect_vreg.gather [hbm4b:s1+s3], $0x80, v4, vm0, $0xb8;
	[tilespmem:$0x18100] =	vst v63  }
0x177: {  	s23 =	simm.s32 $0x8900;
	v3 =	vperm.xlane v3, v2  }
0x178: {  	[tilespmem:s23], [sflag:$0x1] =	stream.indirect_vreg.gather [hbm4b:s5+s3], $0x80, v4, vm0, $0xb8;
	[tilespmem:$0x18100] =	vst v63  }
0x179: {  	v3 =	vadd.s32 v1, v3;
	s23 =	simm.s32 $0x9100  }
0x17a: {  	[tilespmem:s23], [sflag:$0x1] =	stream.indirect_vreg.gather [hbm4b:s6+s3], $0x80, v4, vm0, $0xb8;
	[tilespmem:$0x18100] =	vst v63  }
0x17b: {  	s23 =	simm.s32 $0x9900  }
0x17c: {  	[tilespmem:s23], [sflag:$0x1] =	stream.indirect_vreg.gather [hbm4b:s7+s3], $0x80, v4, vm0, $0xb8;
	[tilespmem:$0x18100] =	vst v63  }
0x17d: {  	s23 =	simm.s32 $0xA100  }
0x17e: {  	[tilespmem:s23], [sflag:$0x1] =	stream.indirect_vreg.gather [hbm4b:s1+s3], $0x80, v3, vm0, $0xb8;
	[tilespmem:$0x18100] =	vst v63  }
0x17f: {  	s23 =	simm.s32 $0xA900  }
0x180: {  	[tilespmem:s23], [sflag:$0x1] =	stream.indirect_vreg.gather [hbm4b:s5+s3], $0x80, v3, vm0, $0xb8;
	[tilespmem:$0x18100] =	vst v63  }
0x181: {  	s23 =	simm.s32 $0xB100  }
0x182: {  	[tilespmem:s23], [sflag:$0x1] =	stream.indirect_vreg.gather [hbm4b:s6+s3], $0x80, v3, vm0, $0xb8;
	[tilespmem:$0x18100] =	vst v63  }
0x183: {  	s23 =	simm.s32 $0xB900  }
0x184: {  	[tilespmem:s23], [sflag:$0x1] =	stream.indirect_vreg.gather [hbm4b:s7+s3], $0x80, v3, vm0, $0xb8;
	[tilespmem:$0x18100] =	vst v63  }
0x185: {  	v3 =	vld [tilespmem:$0xF0];
	_ =	sdelay $0x4  }
0x186: {  	v63 =	vshll.u32 v3, $0x3  }
0x187: {  	v3 =	vand.u32 $0x7, v3;
	v4 =	vand.u32 $0xFFFFFFC0, v63  }
0x188: {  	v3 =	vor.u32 v3, v4  }
0x189: {  	v4 =	vperm.xlane v3, v0;
	_ =	sdelay $0x1  }
0x18a: {  	v4 =	vadd.s32 v1, v4;
	_ =	sdelay $0x3  }
0x18b: {  	s23 =	simm.s32 $0xC100  }
0x18c: {  	[tilespmem:s23], [sflag:$0x1] =	stream.indirect_vreg.gather [hbm4b:s1+s3], $0x80, v4, vm0, $0xb8;
	[tilespmem:$0x18100] =	vst v63  }
0x18d: {  	v3 =	vperm.xlane v3, v2;
	s23 =	simm.s32 $0xC900  }
0x18e: {  	[tilespmem:s23], [sflag:$0x1] =	stream.indirect_vreg.gather [hbm4b:s5+s3], $0x80, v4, vm0, $0xb8;
	[tilespmem:$0x18100] =	vst v63  }
0x18f: {  	v3 =	vadd.s32 v1, v3;
	s23 =	simm.s32 $0xD100  }
0x190: {  	[tilespmem:s23], [sflag:$0x1] =	stream.indirect_vreg.gather [hbm4b:s6+s3], $0x80, v4, vm0, $0xb8;
	[tilespmem:$0x18100] =	vst v63  }
0x191: {  	s23 =	simm.s32 $0xD900  }
0x192: {  	[tilespmem:s23], [sflag:$0x1] =	stream.indirect_vreg.gather [hbm4b:s7+s3], $0x80, v4, vm0, $0xb8;
	[tilespmem:$0x18100] =	vst v63  }
0x193: {  	s23 =	simm.s32 $0xE100  }
0x194: {  	[tilespmem:s23], [sflag:$0x1] =	stream.indirect_vreg.gather [hbm4b:s1+s3], $0x80, v3, vm0, $0xb8;
	[tilespmem:$0x18100] =	vst v63  }
0x195: {  	s23 =	simm.s32 $0xE900  }
0x196: {  	[tilespmem:s23], [sflag:$0x1] =	stream.indirect_vreg.gather [hbm4b:s5+s3], $0x80, v3, vm0, $0xb8;
	[tilespmem:$0x18100] =	vst v63  }
0x197: {  	s23 =	simm.s32 $0xF100  }
0x198: {  	[tilespmem:s23], [sflag:$0x1] =	stream.indirect_vreg.gather [hbm4b:s6+s3], $0x80, v3, vm0, $0xb8;
	[tilespmem:$0x18100] =	vst v63  }
0x199: {  	s23 =	simm.s32 $0xF900  }
0x19a: {  	[tilespmem:s23], [sflag:$0x1] =	stream.indirect_vreg.gather [hbm4b:s7+s3], $0x80, v3, vm0, $0xb8;
	[tilespmem:$0x18100] =	vst v63  }
0x19b: {  	_ =	swait.ge [sflag:s21], $0x8000  }
0x19c: {  	[sflag:s21] =	ssyncset.done $0x0  }
0x19d: {  	[sflag:s21] =	ssyncadd.s32 $0xFFFF8000  }
0x19e: {  	_ =	swait.ge [sflag:s26], $0x8000  }
0x19f: {  	[sflag:s26] =	ssyncset.done $0x0  }
0x1a0: {  	s2 =	rddreg [dreg:$0xb];
	[sflag:s26] =	ssyncadd.s32 $0xFFFF8000  }
0x1a1: {  	[hbm4b:s2+s3] =	stream.linear.scatter [tilespmem:s0], [sflag:$0x3], $0x8000, $0x38;
	[tilespmem:$0x18100] =	vst v63  }
0x1a2: {  	_ =	swait.ge [sflag:s20], $0x8000  }
0x1a3: {  	[sflag:s20] =	ssyncset.done $0x0  }
0x1a4: {  	[sflag:s20] =	ssyncadd.s32 $0xFFFF8000  }
0x1a5: {  	p0 =	sne.s32 s8, $0x1;
	_ =	swait.ge [sflag:s21], $0x8000  }
.Ltmp0:
0x1a6: {  	[sflag:s21] =	ssyncset.done $0x0;
	(pc) =	sbr.rel @p0 .LBB2_1-.Ltmp0, $4  }
0x1a7: {  	[sflag:s21] =	ssyncadd.s32 $0xFFFF8000  }
0x1a8: {  	_ =	swait.ge [sflag:s29], $0x8000  }
0x1a9: {  	[sflag:s29] =	ssyncset.done $0x0  }
0x1aa: {  	s8 =	sadd.s32 $0xFFFFFFFF, s8;
	[sflag:s29] =	ssyncadd.s32 $0xFFFF8000  }
0x1ab: {  	_ =	sfence.sel $0x180000  }
0x1ac: {  	[bflag:$0x0] =	sbarrier.arrive $0xFFFF  }
0x1ad: {  	_ =	strace $0x90000047  }
0x1ae: {  	s0 =	stileid.u32;
	[bflag:$0x2] =	sbarrier.arrive $0xFFFF  }
0x1af: {  	p0 =	sne.s32 s0, $0x0;
	s0 =	rddreg [dreg:$0x3]  }
0x1b0: {  	s0 =	sadd.s32 @!p0 $0x100000, s0  }
0x1b1: {  	[sflag:s0] =	ssyncadd.tile.s32 @!p0 $0x1;
	_ =	shalt  }
.Lfunc_end2:
_tile_overlayer_lowered:
.L_overlay_start_2:
0x1b2: {  	(tag) =	ssettag $0x2  }
0x1b3: {  	s0 =	rddreg [dreg:$0x0];
	s2 =	stileid.u32  }
0x1b4: {  	s1 =	rddreg [dreg:$0x1];
	p0 =	sne.s32 s2, $0x0  }
0x1b5: {  	s3 =	rddreg [dreg:$0x2];
	[bflag:$0x3] =	sbarrier.arrive $0xFFFF;
	s2 =	simm.s32 @!p0 $0x1C05  }
0x1b6: {  	[timem:s3], [sflag:s2] =	dma.local @!p0 [hbm:s0], s1  }
0x1b7: {  	s0 =	simm.s32 @!p0 $0x5  }
0x1b8: {  	_ =	swait.ge @!p0 [sflag:s0], s1  }
0x1b9: {  	s1 =	ssub.s32 @!p0 $0x0, s1;
	[sflag:s0] =	ssyncset.done @!p0 $0x0  }
0x1ba: {  	[sflag:s0] =	ssyncadd.s32 @!p0 s1  }
0x1bb: {  	[bflag:$0x3] =	sbarrier.arrive $0xFFFF  }
0x1bc: {  	_ =	shalt  }

</sc_bundles>
